<compile_context>
chip_gen: v7x
topology: tpu7x:2x2x1
jax: 0.10.2.dev20260603
libtpu: 0.0.44.dev20260713+nightly
codegen_flags: <defaults>
</compile_context>

<pallas_src>
import functools

import numpy as np
import jax
import jax.numpy as jnp
from jax import lax
from jax.experimental import pallas as pl
from jax.experimental.pallas import tpu as pltpu
from jax.experimental.pallas import tpu_sc as plsc

P = 3
H = W = 56
L = H * W
C = 96
D = C * P * P
LC_TILE = 512
L_PAD = 3584
N_TILES = L_PAD // LC_TILE

HP = H + 2
NPIX = HP * HP

NSC, NSUB = 2, 16
NW = NSC * NSUB
R = L * P * P
CHUNK = 896
R_PAD = NW * CHUNK
IDX_W = 128
NCH = CHUNK // IDX_W
NBUF = 4

JUNK_ROW = L
ACC_ROWS = 3200
ACC_SLICE = ACC_ROWS // NSUB
CW = 128


def _recip_divisor_np():
    div = np.zeros((H, W), dtype=np.float32)
    for dy in (-1, 0, 1):
        for dx in (-1, 0, 1):
            div[max(0, dy):H + min(0, dy), max(0, dx):W + min(0, dx)] += 1.0
    return np.float32(1.0) / (div + np.float32(1e-8))


_RECIP_PIX = _recip_divisor_np().reshape(L, 1)


def _scatter_idx_np():
    l = np.arange(L)[:, None]
    k = np.arange(P * P)[None, :]
    y, x = l // W, l % W
    ty, tx = y + k // P - 1, x + k % P - 1
    idx = np.where((ty >= 0) & (ty < H) & (tx >= 0) & (tx < W),
                   ty * W + tx, JUNK_ROW).astype(np.int32)
    flat = np.full((R_PAD,), JUNK_ROW, dtype=np.int32)
    flat[:R] = idx.reshape(-1)
    return flat.reshape(NW, NCH, IDX_W)


_SCATTER_IDX = _scatter_idx_np()


def _match_body(ct_ref, sn_ref, gidx_ref):
    ct = ct_ref[...]
    sn = sn_ref[...]
    rn = jnp.sqrt(jnp.sum(ct * ct, axis=0, keepdims=True))
    cn = ct / jnp.maximum(rn, 1e-12)
    scores = jax.lax.dot_general(
        cn, sn, (((0,), (0,)), ((), ())))
    iota = lax.broadcasted_iota(jnp.int32, (LC_TILE, L), 1)
    m = jnp.max(scores, axis=1, keepdims=True)
    best = jnp.min(jnp.where(scores == m, iota, L), axis=1)
    yb = jnp.right_shift(best * 18725, 20)
    base = best + 2 * yb
    ki = lax.broadcasted_iota(jnp.int32, (LC_TILE, P * P), 1)
    ti = jnp.right_shift(ki * 21846, 16)
    off = ti * (HP - P) + ki
    gidx_ref[0] = base[:, None] + off


def _combine_body(parts_ref, recip_ref, out_ref):
    p = parts_ref[0] + parts_ref[1]
    img = p[:L, :C] * recip_ref[...]
    out_ref[...] = img.T


def _sc_body(gidx_hbm, sidx_hbm, table_hbm, zeros_hbm, out_hbm,
             gidx_v, sidx_v, rows_v, acc_sh, sems, zsem):
    cid = lax.axis_index("c")
    sid = lax.axis_index("s")
    wid = cid * NSUB + sid
    pltpu.sync_copy(gidx_hbm.at[wid], gidx_v)
    pltpu.sync_copy(sidx_hbm.at[wid], sidx_v)
    zdesc = pltpu.async_copy(zeros_hbm.at[pl.ds(sid * ACC_SLICE, ACC_SLICE)],
                             acc_sh.at[pl.ds(sid * ACC_SLICE, ACC_SLICE)],
                             zsem)
    descs = [None] * NBUF
    for j in range(min(NBUF - 1, NCH)):
        descs[j] = pltpu.async_copy(table_hbm.at[gidx_v.at[j]],
                                    rows_v.at[j], sems.at[j])
    zdesc.wait()
    plsc.subcore_barrier()
    for j in range(NCH):
        b = j % NBUF
        descs[b].wait()
        nj = j + NBUF - 1
        if nj < NCH:
            descs[nj % NBUF] = pltpu.async_copy(
                table_hbm.at[gidx_v.at[nj]], rows_v.at[nj % NBUF],
                sems.at[nj % NBUF])
        pltpu.sync_copy(rows_v.at[b], acc_sh.at[sidx_v.at[j]], add=True)
    plsc.subcore_barrier()
    pltpu.sync_copy(acc_sh.at[pl.ds(sid * ACC_SLICE, ACC_SLICE)],
                    out_hbm.at[cid].at[pl.ds(sid * ACC_SLICE, ACC_SLICE)])


@functools.cache
def _sc_gather_fold():
    return pl.kernel(
        _sc_body,
        out_type=jax.ShapeDtypeStruct((NSC, ACC_ROWS, CW), jnp.float32),
        mesh=plsc.VectorSubcoreMesh(core_axis_name="c", subcore_axis_name="s",
                                    num_cores=NSC, num_subcores=NSUB),
        scratch_types=[
            pltpu.VMEM((NCH, IDX_W), jnp.int32),
            pltpu.VMEM((NCH, IDX_W), jnp.int32),
            pltpu.VMEM((NBUF, IDX_W, CW), jnp.float32),
            pltpu.VMEM_SHARED((ACC_ROWS, CW), jnp.float32),
            pltpu.SemaphoreType.DMA((NBUF,)),
            pltpu.SemaphoreType.DMA,
        ],
    )


def _patches_t(x, h_out=H):
    xp = jnp.pad(x, ((0, 0), (1, 1 + h_out - H), (1, 1)))
    shifted = jnp.stack([xp[:, i:i + h_out, j:j + W]
                         for i in range(P) for j in range(P)], axis=0)
    return shifted.reshape(P * P * C, h_out * W)


def kernel(content_features, style_features):
    ct_pad = _patches_t(content_features[0], h_out=L_PAD // W)
    st = _patches_t(style_features[0])
    maxn = jnp.maximum(jnp.sqrt(jnp.sum(st * st, axis=0, keepdims=True)),
                       1e-12)
    sn = st / maxn
    gidx = pl.pallas_call(
        _match_body,
        grid=(N_TILES,),
        in_specs=[
            pl.BlockSpec((D, LC_TILE), lambda i: (0, i)),
            pl.BlockSpec((D, L), lambda i: (0, 0)),
        ],
        out_specs=pl.BlockSpec((1, LC_TILE, P * P), lambda i: (i, 0, 0)),
        out_shape=jax.ShapeDtypeStruct((N_TILES, LC_TILE, P * P), jnp.int32),
    )(ct_pad, sn)

    gidx_valid = gidx.reshape(L_PAD, P * P)[:L].reshape(R)
    gidx_flat = jnp.full((R_PAD,), 0, dtype=jnp.int32)
    gidx_flat = lax.dynamic_update_slice(gidx_flat, gidx_valid, (0,))
    gidx_w = gidx_flat.reshape(NW, NCH, IDX_W)

    s_hwc = jnp.transpose(style_features[0], (1, 2, 0))
    table = jnp.pad(s_hwc, ((1, 1), (1, 1), (0, CW - C))).reshape(NPIX, CW)

    parts = _sc_gather_fold()(
        gidx_w, jnp.asarray(_SCATTER_IDX), table,
        jnp.zeros((ACC_ROWS, CW), jnp.float32))

    out = pl.pallas_call(
        _combine_body,
        in_specs=[
            pl.BlockSpec((NSC, ACC_ROWS, CW), lambda: (0, 0, 0)),
            pl.BlockSpec((L, 1), lambda: (0, 0)),
        ],
        out_specs=pl.BlockSpec((C, L), lambda: (0, 0)),
        out_shape=jax.ShapeDtypeStruct((C, L), jnp.float32),
    )(parts, jnp.asarray(_RECIP_PIX))
    return out.reshape(1, C, H, W)

# --- scband reference (transcript-rebuilt; emitter-appended) ---
"""Pipeline reference for scband-patch-matcher-58909771432229 (READ-ONLY COPY).

The authoritative reference and input builder live on the scoring server;
editing this copy changes nothing except your own understanding.
"""

import jax, jax.numpy as jnp
import numpy as np

PATCH_SIZE = 3
STRIDE = 1


def _extract_patches(x, p):
    # torch F.unfold(kernel=p, stride=1, padding=p//2) then view(b,c,p,p,L).permute(0,4,1,2,3)
    b, c, h, w = x.shape
    pad = p // 2
    xp = jnp.pad(x, ((0, 0), (0, 0), (pad, pad), (pad, pad)))
    cols = jnp.stack([xp[:, :, i:i + h, j:j + w] for i in range(p) for j in range(p)], axis=2)  # [B,C,p*p,H,W]
    cols = cols.reshape(b, c, p, p, h * w)  # [B,C,p,p,L]
    patches = jnp.transpose(cols, (0, 4, 1, 2, 3))  # [B,L,C,p,p]
    return patches


def _fold(cols, out_hw, p):
    # cols: [B, C*p*p, L] -> scatter-add back to [B, C, H, W] (stride=1, padding=p//2)
    b = cols.shape[0]
    h, w = out_hw
    c = cols.shape[1] // (p * p)
    pad = p // 2
    cols = cols.reshape(b, c, p, p, h, w)
    out = jnp.zeros((b, c, h + 2 * pad, w + 2 * pad), dtype=cols.dtype)
    for i in range(p):
        for j in range(p):
            out = out.at[:, :, i:i + h, j:j + w].add(cols[:, :, i, j])
    return out[:, :, pad:pad + h, pad:pad + w]


def setup_inputs(seed: int = 0):
    key = jax.random.key(seed)
    k1, k2 = jax.random.split(key)
    content_features = jax.random.normal(k1, (1, 96, 56, 56), dtype=jnp.float32)
    style_features = jax.random.normal(k2, (1, 96, 56, 56), dtype=jnp.float32)
    return {"content_features": content_features, "style_features": style_features}


def reference(content_features, style_features):
    p = PATCH_SIZE
    b, c, h, w = content_features.shape
    # extract_patches
    cp = _extract_patches(content_features, p)  # [B,Lc,C,p,p]
    sp = _extract_patches(style_features, p)    # [B,Ls,C,p,p]
    d = c * p * p
    cflat = cp.reshape(b, -1, d)
    sflat = sp.reshape(b, -1, d)
    # compute_distances: F.normalize(dim=2) == x / max(||x||, 1e-12)
    cn = cflat / jnp.maximum(jnp.linalg.norm(cflat, axis=2, keepdims=True), 1e-12)
    sn = sflat / jnp.maximum(jnp.linalg.norm(sflat, axis=2, keepdims=True), 1e-12)
    distances = jnp.einsum('bnd,bmd->bnm', cn, sn)  # [B,Lc,Ls]
    # find_best_matches
    best_matches = jnp.argmax(distances, axis=2)  # [B,Lc]
    # reconstruct_features: gather matched style patches, fold back with overlap averaging
    matched = sp[jnp.arange(b)[:, None], best_matches]  # [B,Lc,C,p,p]
    matched_flat = matched.reshape(b, -1, d)            # [B,L,C*p*p]
    cols = jnp.transpose(matched_flat, (0, 2, 1))       # [B,C*p*p,L] (layout F.fold requires)
    output = _fold(cols, (h, w), p)
    ones = jnp.ones_like(cols)
    divisor = _fold(ones, (h, w), p)
    return output / (divisor + 1e-08)

if __name__ == "__main__":
    import jax
    _d = setup_inputs()
    print(jax.jit(kernel)(*tuple(_d.values())))

</pallas_src>

<mosaic_0001>
#map = affine_map<(d0, d1) -> (0, 0, 0)>
#map1 = affine_map<(d0, d1) -> (0, 0)>
module attributes {stable_mosaic.version = 14 : i64} {
  func.func @_sc_body(%arg0: i32, %arg1: i32, %arg2: memref<32x7x128xi32, #tpu.memory_space<hbm>>, %arg3: memref<32x7x128xi32, #tpu.memory_space<hbm>>, %arg4: memref<3364x128xf32, #tpu.memory_space<hbm>>, %arg5: memref<3200x128xf32, #tpu.memory_space<hbm>>, %arg6: memref<2x3200x128xf32, #tpu.memory_space<hbm>>, %arg7: memref<7x128xi32, #tpu.memory_space<vmem>>, %arg8: memref<7x128xi32, #tpu.memory_space<vmem>>, %arg9: memref<4x128x128xf32, #tpu.memory_space<vmem>>, %arg10: memref<3200x128xf32, #tpu.memory_space<vmem_shared>>, %arg11: memref<4x!tpu.dma_semaphore, #tpu.memory_space<semaphore_mem>>, %arg12: memref<!tpu.dma_semaphore, #tpu.memory_space<semaphore_mem>>) attributes {dimension_semantics = [#tpu.dimension_semantics<core_parallel>, #tpu.dimension_semantics<subcore_parallel>], iteration_bounds = array<i64: 2, 16>, scalar_prefetch = 0 : i64, scratch_operands = 6 : i64, tpu.core_type = #tpu.core_type<sc_vector_subcore>, window_params = [{transform_indices = #map}, {transform_indices = #map}, {transform_indices = #map1}, {transform_indices = #map1}, {transform_indices = #map}]} {
    %mul3A = arith.constant 16 : i32
    %mul3A_0 = arith.muli %arg0, %mul3A : i32
    %add3A = arith.addi %mul3A_0, %arg1 : i32
    "tpu.region"() ({
      %run_scoped3A_239 = tpu.sem_alloc : memref<!tpu.dma_semaphore, #tpu.memory_space<semaphore_mem>>
      %dma_start3A_240 = arith.constant 0 : i32
      %dma_start3A_241 = arith.constant 0 : i32
      %dma_start3A_242 = tpu.memref_slice %arg2[%add3A, %dma_start3A_240, %dma_start3A_241] : memref<32x7x128xi32, #tpu.memory_space<hbm>> -> memref<1x7x128xi32, #tpu.memory_space<hbm>>
      %dma_start3A_243 = tpu.memref_squeeze %dma_start3A_242 : memref<1x7x128xi32, #tpu.memory_space<hbm>> -> memref<7x128xi32, #tpu.memory_space<hbm>>
      %dma_start3A_244 = arith.constant 0 : i32
      %dma_start3A_245 = arith.constant 0 : i32
      %dma_start3A_246 = tpu.memref_slice %arg2[%add3A, %dma_start3A_244, %dma_start3A_245] : memref<32x7x128xi32, #tpu.memory_space<hbm>> -> memref<1x7x128xi32, #tpu.memory_space<hbm>>
      %dma_start3A_247 = tpu.memref_squeeze %dma_start3A_246 : memref<1x7x128xi32, #tpu.memory_space<hbm>> -> memref<7x128xi32, #tpu.memory_space<hbm>>
      tpu.enqueue_dma source(%dma_start3A_247 : memref<7x128xi32, #tpu.memory_space<hbm>>) target(%arg7 : memref<7x128xi32, #tpu.memory_space<vmem>>) target_semaphore(%run_scoped3A_239 : memref<!tpu.dma_semaphore, #tpu.memory_space<semaphore_mem>>)
      %dma_wait3A_248 = arith.constant 0 : i32
      %dma_wait3A_249 = arith.constant 0 : i32
      %dma_wait3A_250 = tpu.memref_slice %arg2[%add3A, %dma_wait3A_248, %dma_wait3A_249] : memref<32x7x128xi32, #tpu.memory_space<hbm>> -> memref<1x7x128xi32, #tpu.memory_space<hbm>>
      %dma_wait3A_251 = tpu.memref_squeeze %dma_wait3A_250 : memref<1x7x128xi32, #tpu.memory_space<hbm>> -> memref<7x128xi32, #tpu.memory_space<hbm>>
      %dma_wait3A_252 = arith.constant 0 : i32
      %dma_wait3A_253 = arith.constant 0 : i32
      %dma_wait3A_254 = tpu.memref_slice %arg2[%add3A, %dma_wait3A_252, %dma_wait3A_253] : memref<32x7x128xi32, #tpu.memory_space<hbm>> -> memref<1x7x128xi32, #tpu.memory_space<hbm>>
      %dma_wait3A_255 = tpu.memref_squeeze %dma_wait3A_254 : memref<1x7x128xi32, #tpu.memory_space<hbm>> -> memref<7x128xi32, #tpu.memory_space<hbm>>
      tpu.wait_dma2 semaphore(%run_scoped3A_239 : memref<!tpu.dma_semaphore, #tpu.memory_space<semaphore_mem>>) src(%dma_wait3A_255 : memref<7x128xi32, #tpu.memory_space<hbm>>) dst(%arg7 : memref<7x128xi32, #tpu.memory_space<vmem>>)
      tpu.yield
    }) : () -> ()
    "tpu.region"() ({
      %run_scoped3A_239 = tpu.sem_alloc : memref<!tpu.dma_semaphore, #tpu.memory_space<semaphore_mem>>
      %dma_start3A_240 = arith.constant 0 : i32
      %dma_start3A_241 = arith.constant 0 : i32
      %dma_start3A_242 = tpu.memref_slice %arg3[%add3A, %dma_start3A_240, %dma_start3A_241] : memref<32x7x128xi32, #tpu.memory_space<hbm>> -> memref<1x7x128xi32, #tpu.memory_space<hbm>>
      %dma_start3A_243 = tpu.memref_squeeze %dma_start3A_242 : memref<1x7x128xi32, #tpu.memory_space<hbm>> -> memref<7x128xi32, #tpu.memory_space<hbm>>
      %dma_start3A_244 = arith.constant 0 : i32
      %dma_start3A_245 = arith.constant 0 : i32
      %dma_start3A_246 = tpu.memref_slice %arg3[%add3A, %dma_start3A_244, %dma_start3A_245] : memref<32x7x128xi32, #tpu.memory_space<hbm>> -> memref<1x7x128xi32, #tpu.memory_space<hbm>>
      %dma_start3A_247 = tpu.memref_squeeze %dma_start3A_246 : memref<1x7x128xi32, #tpu.memory_space<hbm>> -> memref<7x128xi32, #tpu.memory_space<hbm>>
      tpu.enqueue_dma source(%dma_start3A_247 : memref<7x128xi32, #tpu.memory_space<hbm>>) target(%arg8 : memref<7x128xi32, #tpu.memory_space<vmem>>) target_semaphore(%run_scoped3A_239 : memref<!tpu.dma_semaphore, #tpu.memory_space<semaphore_mem>>)
      %dma_wait3A_248 = arith.constant 0 : i32
      %dma_wait3A_249 = arith.constant 0 : i32
      %dma_wait3A_250 = tpu.memref_slice %arg3[%add3A, %dma_wait3A_248, %dma_wait3A_249] : memref<32x7x128xi32, #tpu.memory_space<hbm>> -> memref<1x7x128xi32, #tpu.memory_space<hbm>>
      %dma_wait3A_251 = tpu.memref_squeeze %dma_wait3A_250 : memref<1x7x128xi32, #tpu.memory_space<hbm>> -> memref<7x128xi32, #tpu.memory_space<hbm>>
      %dma_wait3A_252 = arith.constant 0 : i32
      %dma_wait3A_253 = arith.constant 0 : i32
      %dma_wait3A_254 = tpu.memref_slice %arg3[%add3A, %dma_wait3A_252, %dma_wait3A_253] : memref<32x7x128xi32, #tpu.memory_space<hbm>> -> memref<1x7x128xi32, #tpu.memory_space<hbm>>
      %dma_wait3A_255 = tpu.memref_squeeze %dma_wait3A_254 : memref<1x7x128xi32, #tpu.memory_space<hbm>> -> memref<7x128xi32, #tpu.memory_space<hbm>>
      tpu.wait_dma2 semaphore(%run_scoped3A_239 : memref<!tpu.dma_semaphore, #tpu.memory_space<semaphore_mem>>) src(%dma_wait3A_255 : memref<7x128xi32, #tpu.memory_space<hbm>>) dst(%arg8 : memref<7x128xi32, #tpu.memory_space<vmem>>)
      tpu.yield
    }) : () -> ()
    %mul3A_1 = arith.constant 200 : i32
    %mul3A_2 = arith.muli %arg1, %mul3A_1 : i32
    %mul3A_3 = arith.constant 200 : i32
    %mul3A_4 = arith.muli %arg1, %mul3A_3 : i32
    %dma_start3A = arith.constant 0 : i32
    %dma_start3A_5 = tpu.memref_slice %arg10[%mul3A_4, %dma_start3A] : memref<3200x128xf32, #tpu.memory_space<vmem_shared>> -> memref<200x128xf32, #tpu.memory_space<vmem_shared>>
    %dma_start3A_6 = arith.constant 0 : i32
    %dma_start3A_7 = tpu.memref_slice %arg5[%mul3A_2, %dma_start3A_6] : memref<3200x128xf32, #tpu.memory_space<hbm>> -> memref<200x128xf32, #tpu.memory_space<hbm>>
    tpu.enqueue_dma source(%dma_start3A_7 : memref<200x128xf32, #tpu.memory_space<hbm>>) target(%dma_start3A_5 : memref<200x128xf32, #tpu.memory_space<vmem_shared>>) target_semaphore(%arg12 : memref<!tpu.dma_semaphore, #tpu.memory_space<semaphore_mem>>)
    %dma_start3A_8 = arith.constant 0 : i32
    %dma_start3A_9 = arith.constant 0 : i32
    %dma_start3A_10 = arith.constant 0 : i32
    %dma_start3A_11 = arith.constant 0 : i32
    %dma_start3A_12 = arith.constant 0 : i32
    %dma_start3A_13 = tpu.memref_slice %arg9[%dma_start3A_9, %dma_start3A_11, %dma_start3A_12] : memref<4x128x128xf32, #tpu.memory_space<vmem>> -> memref<1x128x128xf32, #tpu.memory_space<vmem>>
    %dma_start3A_14 = tpu.memref_squeeze %dma_start3A_13 : memref<1x128x128xf32, #tpu.memory_space<vmem>> -> memref<128x128xf32, #tpu.memory_space<vmem>>
    %dma_start3A_15 = arith.constant 0 : i32
    %dma_start3A_16 = tpu.memref_slice %arg7[%dma_start3A_8, %dma_start3A_15] : memref<7x128xi32, #tpu.memory_space<vmem>> -> memref<1x128xi32, #tpu.memory_space<vmem>>
    %dma_start3A_17 = tpu.memref_squeeze %dma_start3A_16 : memref<1x128xi32, #tpu.memory_space<vmem>> -> memref<128xi32, #tpu.memory_space<vmem>>
    %dma_start3A_18 = arith.constant 0 : i32
    %dma_start3A_19 = arith.constant 0 : i32
    %dma_start3A_20 = tpu.memref_slice %arg4[%dma_start3A_18, %dma_start3A_19] : memref<3364x128xf32, #tpu.memory_space<hbm>> -> memref<3364x128xf32, #tpu.memory_space<hbm>>
    %dma_start3A_21 = tpu.memref_slice %arg11[%dma_start3A_10] : memref<4x!tpu.dma_semaphore, #tpu.memory_space<semaphore_mem>> -> memref<1x!tpu.dma_semaphore, #tpu.memory_space<semaphore_mem>>
    %dma_start3A_22 = tpu.memref_squeeze %dma_start3A_21 : memref<1x!tpu.dma_semaphore, #tpu.memory_space<semaphore_mem>> -> memref<!tpu.dma_semaphore, #tpu.memory_space<semaphore_mem>>
    tpu.enqueue_indirect_dma source(%dma_start3A_20 : memref<3364x128xf32, #tpu.memory_space<hbm>>) target(%dma_start3A_14 : memref<128x128xf32, #tpu.memory_space<vmem>>) offsets(%dma_start3A_17 : memref<128xi32, #tpu.memory_space<vmem>>) semaphore(%dma_start3A_22 : memref<!tpu.dma_semaphore, #tpu.memory_space<semaphore_mem>>)
    %dma_start3A_23 = arith.constant 1 : i32
    %dma_start3A_24 = arith.constant 1 : i32
    %dma_start3A_25 = arith.constant 1 : i32
    %dma_start3A_26 = arith.constant 0 : i32
    %dma_start3A_27 = arith.constant 0 : i32
    %dma_start3A_28 = tpu.memref_slice %arg9[%dma_start3A_24, %dma_start3A_26, %dma_start3A_27] : memref<4x128x128xf32, #tpu.memory_space<vmem>> -> memref<1x128x128xf32, #tpu.memory_space<vmem>>
    %dma_start3A_29 = tpu.memref_squeeze %dma_start3A_28 : memref<1x128x128xf32, #tpu.memory_space<vmem>> -> memref<128x128xf32, #tpu.memory_space<vmem>>
    %dma_start3A_30 = arith.constant 0 : i32
    %dma_start3A_31 = tpu.memref_slice %arg7[%dma_start3A_23, %dma_start3A_30] : memref<7x128xi32, #tpu.memory_space<vmem>> -> memref<1x128xi32, #tpu.memory_space<vmem>>
    %dma_start3A_32 = tpu.memref_squeeze %dma_start3A_31 : memref<1x128xi32, #tpu.memory_space<vmem>> -> memref<128xi32, #tpu.memory_space<vmem>>
    %dma_start3A_33 = arith.constant 0 : i32
    %dma_start3A_34 = arith.constant 0 : i32
    %dma_start3A_35 = tpu.memref_slice %arg4[%dma_start3A_33, %dma_start3A_34] : memref<3364x128xf32, #tpu.memory_space<hbm>> -> memref<3364x128xf32, #tpu.memory_space<hbm>>
    %dma_start3A_36 = tpu.memref_slice %arg11[%dma_start3A_25] : memref<4x!tpu.dma_semaphore, #tpu.memory_space<semaphore_mem>> -> memref<1x!tpu.dma_semaphore, #tpu.memory_space<semaphore_mem>>
    %dma_start3A_37 = tpu.memref_squeeze %dma_start3A_36 : memref<1x!tpu.dma_semaphore, #tpu.memory_space<semaphore_mem>> -> memref<!tpu.dma_semaphore, #tpu.memory_space<semaphore_mem>>
    tpu.enqueue_indirect_dma source(%dma_start3A_35 : memref<3364x128xf32, #tpu.memory_space<hbm>>) target(%dma_start3A_29 : memref<128x128xf32, #tpu.memory_space<vmem>>) offsets(%dma_start3A_32 : memref<128xi32, #tpu.memory_space<vmem>>) semaphore(%dma_start3A_37 : memref<!tpu.dma_semaphore, #tpu.memory_space<semaphore_mem>>)
    %dma_start3A_38 = arith.constant 2 : i32
    %dma_start3A_39 = arith.constant 2 : i32
    %dma_start3A_40 = arith.constant 2 : i32
    %dma_start3A_41 = arith.constant 0 : i32
    %dma_start3A_42 = arith.constant 0 : i32
    %dma_start3A_43 = tpu.memref_slice %arg9[%dma_start3A_39, %dma_start3A_41, %dma_start3A_42] : memref<4x128x128xf32, #tpu.memory_space<vmem>> -> memref<1x128x128xf32, #tpu.memory_space<vmem>>
    %dma_start3A_44 = tpu.memref_squeeze %dma_start3A_43 : memref<1x128x128xf32, #tpu.memory_space<vmem>> -> memref<128x128xf32, #tpu.memory_space<vmem>>
    %dma_start3A_45 = arith.constant 0 : i32
    %dma_start3A_46 = tpu.memref_slice %arg7[%dma_start3A_38, %dma_start3A_45] : memref<7x128xi32, #tpu.memory_space<vmem>> -> memref<1x128xi32, #tpu.memory_space<vmem>>
    %dma_start3A_47 = tpu.memref_squeeze %dma_start3A_46 : memref<1x128xi32, #tpu.memory_space<vmem>> -> memref<128xi32, #tpu.memory_space<vmem>>
    %dma_start3A_48 = arith.constant 0 : i32
    %dma_start3A_49 = arith.constant 0 : i32
    %dma_start3A_50 = tpu.memref_slice %arg4[%dma_start3A_48, %dma_start3A_49] : memref<3364x128xf32, #tpu.memory_space<hbm>> -> memref<3364x128xf32, #tpu.memory_space<hbm>>
    %dma_start3A_51 = tpu.memref_slice %arg11[%dma_start3A_40] : memref<4x!tpu.dma_semaphore, #tpu.memory_space<semaphore_mem>> -> memref<1x!tpu.dma_semaphore, #tpu.memory_space<semaphore_mem>>
    %dma_start3A_52 = tpu.memref_squeeze %dma_start3A_51 : memref<1x!tpu.dma_semaphore, #tpu.memory_space<semaphore_mem>> -> memref<!tpu.dma_semaphore, #tpu.memory_space<semaphore_mem>>
    tpu.enqueue_indirect_dma source(%dma_start3A_50 : memref<3364x128xf32, #tpu.memory_space<hbm>>) target(%dma_start3A_44 : memref<128x128xf32, #tpu.memory_space<vmem>>) offsets(%dma_start3A_47 : memref<128xi32, #tpu.memory_space<vmem>>) semaphore(%dma_start3A_52 : memref<!tpu.dma_semaphore, #tpu.memory_space<semaphore_mem>>)
    %dma_wait3A = arith.constant 0 : i32
    %dma_wait3A_53 = tpu.memref_slice %arg10[%mul3A_4, %dma_wait3A] : memref<3200x128xf32, #tpu.memory_space<vmem_shared>> -> memref<200x128xf32, #tpu.memory_space<vmem_shared>>
    %dma_wait3A_54 = arith.constant 0 : i32
    %dma_wait3A_55 = tpu.memref_slice %arg5[%mul3A_2, %dma_wait3A_54] : memref<3200x128xf32, #tpu.memory_space<hbm>> -> memref<200x128xf32, #tpu.memory_space<hbm>>
    tpu.wait_dma2 semaphore(%arg12 : memref<!tpu.dma_semaphore, #tpu.memory_space<semaphore_mem>>) src(%dma_wait3A_55 : memref<200x128xf32, #tpu.memory_space<hbm>>) dst(%dma_wait3A_53 : memref<200x128xf32, #tpu.memory_space<vmem_shared>>)
    %barrier3A = arith.constant 0 : index
    tpu.barrier barrier_id(%barrier3A)
    %dma_wait3A_56 = arith.constant 0 : i32
    %dma_wait3A_57 = arith.constant 0 : i32
    %dma_wait3A_58 = arith.constant 0 : i32
    %dma_wait3A_59 = arith.constant 0 : i32
    %dma_wait3A_60 = arith.constant 0 : i32
    %dma_wait3A_61 = tpu.memref_slice %arg9[%dma_wait3A_57, %dma_wait3A_59, %dma_wait3A_60] : memref<4x128x128xf32, #tpu.memory_space<vmem>> -> memref<1x128x128xf32, #tpu.memory_space<vmem>>
    %dma_wait3A_62 = tpu.memref_squeeze %dma_wait3A_61 : memref<1x128x128xf32, #tpu.memory_space<vmem>> -> memref<128x128xf32, #tpu.memory_space<vmem>>
    %dma_wait3A_63 = arith.constant 0 : i32
    %dma_wait3A_64 = tpu.memref_slice %arg7[%dma_wait3A_56, %dma_wait3A_63] : memref<7x128xi32, #tpu.memory_space<vmem>> -> memref<1x128xi32, #tpu.memory_space<vmem>>
    %dma_wait3A_65 = tpu.memref_squeeze %dma_wait3A_64 : memref<1x128xi32, #tpu.memory_space<vmem>> -> memref<128xi32, #tpu.memory_space<vmem>>
    %dma_wait3A_66 = arith.constant 0 : i32
    %dma_wait3A_67 = arith.constant 0 : i32
    %dma_wait3A_68 = tpu.memref_slice %arg4[%dma_wait3A_66, %dma_wait3A_67] : memref<3364x128xf32, #tpu.memory_space<hbm>> -> memref<3364x128xf32, #tpu.memory_space<hbm>>
    %dma_wait3A_69 = tpu.memref_slice %arg11[%dma_wait3A_58] : memref<4x!tpu.dma_semaphore, #tpu.memory_space<semaphore_mem>> -> memref<1x!tpu.dma_semaphore, #tpu.memory_space<semaphore_mem>>
    %dma_wait3A_70 = tpu.memref_squeeze %dma_wait3A_69 : memref<1x!tpu.dma_semaphore, #tpu.memory_space<semaphore_mem>> -> memref<!tpu.dma_semaphore, #tpu.memory_space<semaphore_mem>>
    tpu.wait_indirect_dma semaphore(%dma_wait3A_70 : memref<!tpu.dma_semaphore, #tpu.memory_space<semaphore_mem>>) src(%dma_wait3A_68 : memref<3364x128xf32, #tpu.memory_space<hbm>>) dst(%dma_wait3A_62 : memref<128x128xf32, #tpu.memory_space<vmem>>)
    %dma_start3A_71 = arith.constant 3 : i32
    %dma_start3A_72 = arith.constant 3 : i32
    %dma_start3A_73 = arith.constant 3 : i32
    %dma_start3A_74 = arith.constant 0 : i32
    %dma_start3A_75 = arith.constant 0 : i32
    %dma_start3A_76 = tpu.memref_slice %arg9[%dma_start3A_72, %dma_start3A_74, %dma_start3A_75] : memref<4x128x128xf32, #tpu.memory_space<vmem>> -> memref<1x128x128xf32, #tpu.memory_space<vmem>>
    %dma_start3A_77 = tpu.memref_squeeze %dma_start3A_76 : memref<1x128x128xf32, #tpu.memory_space<vmem>> -> memref<128x128xf32, #tpu.memory_space<vmem>>
    %dma_start3A_78 = arith.constant 0 : i32
    %dma_start3A_79 = tpu.memref_slice %arg7[%dma_start3A_71, %dma_start3A_78] : memref<7x128xi32, #tpu.memory_space<vmem>> -> memref<1x128xi32, #tpu.memory_space<vmem>>
    %dma_start3A_80 = tpu.memref_squeeze %dma_start3A_79 : memref<1x128xi32, #tpu.memory_space<vmem>> -> memref<128xi32, #tpu.memory_space<vmem>>
    %dma_start3A_81 = arith.constant 0 : i32
    %dma_start3A_82 = arith.constant 0 : i32
    %dma_start3A_83 = tpu.memref_slice %arg4[%dma_start3A_81, %dma_start3A_82] : memref<3364x128xf32, #tpu.memory_space<hbm>> -> memref<3364x128xf32, #tpu.memory_space<hbm>>
    %dma_start3A_84 = tpu.memref_slice %arg11[%dma_start3A_73] : memref<4x!tpu.dma_semaphore, #tpu.memory_space<semaphore_mem>> -> memref<1x!tpu.dma_semaphore, #tpu.memory_space<semaphore_mem>>
    %dma_start3A_85 = tpu.memref_squeeze %dma_start3A_84 : memref<1x!tpu.dma_semaphore, #tpu.memory_space<semaphore_mem>> -> memref<!tpu.dma_semaphore, #tpu.memory_space<semaphore_mem>>
    tpu.enqueue_indirect_dma source(%dma_start3A_83 : memref<3364x128xf32, #tpu.memory_space<hbm>>) target(%dma_start3A_77 : memref<128x128xf32, #tpu.memory_space<vmem>>) offsets(%dma_start3A_80 : memref<128xi32, #tpu.memory_space<vmem>>) semaphore(%dma_start3A_85 : memref<!tpu.dma_semaphore, #tpu.memory_space<semaphore_mem>>)
    %run_scoped3A = arith.constant 0 : i32
    %run_scoped3A_86 = arith.constant 0 : i32
    "tpu.region"() ({
      %run_scoped3A_239 = tpu.sem_alloc : memref<!tpu.dma_semaphore, #tpu.memory_space<semaphore_mem>>
      %dma_start3A_240 = arith.constant 0 : i32
      %dma_start3A_241 = arith.constant 0 : i32
      %dma_start3A_242 = tpu.memref_slice %arg9[%run_scoped3A, %dma_start3A_240, %dma_start3A_241] : memref<4x128x128xf32, #tpu.memory_space<vmem>> -> memref<1x128x128xf32, #tpu.memory_space<vmem>>
      %dma_start3A_243 = tpu.memref_squeeze %dma_start3A_242 : memref<1x128x128xf32, #tpu.memory_space<vmem>> -> memref<128x128xf32, #tpu.memory_space<vmem>>
      %dma_start3A_244 = arith.constant 0 : i32
      %dma_start3A_245 = tpu.memref_slice %arg8[%run_scoped3A_86, %dma_start3A_244] : memref<7x128xi32, #tpu.memory_space<vmem>> -> memref<1x128xi32, #tpu.memory_space<vmem>>
      %dma_start3A_246 = tpu.memref_squeeze %dma_start3A_245 : memref<1x128xi32, #tpu.memory_space<vmem>> -> memref<128xi32, #tpu.memory_space<vmem>>
      %dma_start3A_247 = arith.constant 0 : i32
      %dma_start3A_248 = arith.constant 0 : i32
      %dma_start3A_249 = tpu.memref_slice %arg10[%dma_start3A_247, %dma_start3A_248] : memref<3200x128xf32, #tpu.memory_space<vmem_shared>> -> memref<3200x128xf32, #tpu.memory_space<vmem_shared>>
      tpu.enqueue_indirect_dma source(%dma_start3A_243 : memref<128x128xf32, #tpu.memory_space<vmem>>) target(%dma_start3A_249 : memref<3200x128xf32, #tpu.memory_space<vmem_shared>>) offsets(%dma_start3A_246 : memref<128xi32, #tpu.memory_space<vmem>>) semaphore(%run_scoped3A_239 : memref<!tpu.dma_semaphore, #tpu.memory_space<semaphore_mem>>) {add = true}
      %dma_wait3A_250 = arith.constant 0 : i32
      %dma_wait3A_251 = arith.constant 0 : i32
      %dma_wait3A_252 = tpu.memref_slice %arg9[%run_scoped3A, %dma_wait3A_250, %dma_wait3A_251] : memref<4x128x128xf32, #tpu.memory_space<vmem>> -> memref<1x128x128xf32, #tpu.memory_space<vmem>>
      %dma_wait3A_253 = tpu.memref_squeeze %dma_wait3A_252 : memref<1x128x128xf32, #tpu.memory_space<vmem>> -> memref<128x128xf32, #tpu.memory_space<vmem>>
      %dma_wait3A_254 = arith.constant 0 : i32
      %dma_wait3A_255 = tpu.memref_slice %arg8[%run_scoped3A_86, %dma_wait3A_254] : memref<7x128xi32, #tpu.memory_space<vmem>> -> memref<1x128xi32, #tpu.memory_space<vmem>>
      %dma_wait3A_256 = tpu.memref_squeeze %dma_wait3A_255 : memref<1x128xi32, #tpu.memory_space<vmem>> -> memref<128xi32, #tpu.memory_space<vmem>>
      %dma_wait3A_257 = arith.constant 0 : i32
      %dma_wait3A_258 = arith.constant 0 : i32
      %dma_wait3A_259 = tpu.memref_slice %arg10[%dma_wait3A_257, %dma_wait3A_258] : memref<3200x128xf32, #tpu.memory_space<vmem_shared>> -> memref<3200x128xf32, #tpu.memory_space<vmem_shared>>
      tpu.wait_indirect_dma semaphore(%run_scoped3A_239 : memref<!tpu.dma_semaphore, #tpu.memory_space<semaphore_mem>>) src(%dma_wait3A_253 : memref<128x128xf32, #tpu.memory_space<vmem>>) dst(%dma_wait3A_259 : memref<3200x128xf32, #tpu.memory_space<vmem_shared>>)
      tpu.yield
    }) : () -> ()
    %dma_wait3A_87 = arith.constant 1 : i32
    %dma_wait3A_88 = arith.constant 1 : i32
    %dma_wait3A_89 = arith.constant 1 : i32
    %dma_wait3A_90 = arith.constant 0 : i32
    %dma_wait3A_91 = arith.constant 0 : i32
    %dma_wait3A_92 = tpu.memref_slice %arg9[%dma_wait3A_88, %dma_wait3A_90, %dma_wait3A_91] : memref<4x128x128xf32, #tpu.memory_space<vmem>> -> memref<1x128x128xf32, #tpu.memory_space<vmem>>
    %dma_wait3A_93 = tpu.memref_squeeze %dma_wait3A_92 : memref<1x128x128xf32, #tpu.memory_space<vmem>> -> memref<128x128xf32, #tpu.memory_space<vmem>>
    %dma_wait3A_94 = arith.constant 0 : i32
    %dma_wait3A_95 = tpu.memref_slice %arg7[%dma_wait3A_87, %dma_wait3A_94] : memref<7x128xi32, #tpu.memory_space<vmem>> -> memref<1x128xi32, #tpu.memory_space<vmem>>
    %dma_wait3A_96 = tpu.memref_squeeze %dma_wait3A_95 : memref<1x128xi32, #tpu.memory_space<vmem>> -> memref<128xi32, #tpu.memory_space<vmem>>
    %dma_wait3A_97 = arith.constant 0 : i32
    %dma_wait3A_98 = arith.constant 0 : i32
    %dma_wait3A_99 = tpu.memref_slice %arg4[%dma_wait3A_97, %dma_wait3A_98] : memref<3364x128xf32, #tpu.memory_space<hbm>> -> memref<3364x128xf32, #tpu.memory_space<hbm>>
    %dma_wait3A_100 = tpu.memref_slice %arg11[%dma_wait3A_89] : memref<4x!tpu.dma_semaphore, #tpu.memory_space<semaphore_mem>> -> memref<1x!tpu.dma_semaphore, #tpu.memory_space<semaphore_mem>>
    %dma_wait3A_101 = tpu.memref_squeeze %dma_wait3A_100 : memref<1x!tpu.dma_semaphore, #tpu.memory_space<semaphore_mem>> -> memref<!tpu.dma_semaphore, #tpu.memory_space<semaphore_mem>>
    tpu.wait_indirect_dma semaphore(%dma_wait3A_101 : memref<!tpu.dma_semaphore, #tpu.memory_space<semaphore_mem>>) src(%dma_wait3A_99 : memref<3364x128xf32, #tpu.memory_space<hbm>>) dst(%dma_wait3A_93 : memref<128x128xf32, #tpu.memory_space<vmem>>)
    %dma_start3A_102 = arith.constant 4 : i32
    %dma_start3A_103 = arith.constant 0 : i32
    %dma_start3A_104 = arith.constant 0 : i32
    %dma_start3A_105 = arith.constant 0 : i32
    %dma_start3A_106 = arith.constant 0 : i32
    %dma_start3A_107 = tpu.memref_slice %arg9[%dma_start3A_103, %dma_start3A_105, %dma_start3A_106] : memref<4x128x128xf32, #tpu.memory_space<vmem>> -> memref<1x128x128xf32, #tpu.memory_space<vmem>>
    %dma_start3A_108 = tpu.memref_squeeze %dma_start3A_107 : memref<1x128x128xf32, #tpu.memory_space<vmem>> -> memref<128x128xf32, #tpu.memory_space<vmem>>
    %dma_start3A_109 = arith.constant 0 : i32
    %dma_start3A_110 = tpu.memref_slice %arg7[%dma_start3A_102, %dma_start3A_109] : memref<7x128xi32, #tpu.memory_space<vmem>> -> memref<1x128xi32, #tpu.memory_space<vmem>>
    %dma_start3A_111 = tpu.memref_squeeze %dma_start3A_110 : memref<1x128xi32, #tpu.memory_space<vmem>> -> memref<128xi32, #tpu.memory_space<vmem>>
    %dma_start3A_112 = arith.constant 0 : i32
    %dma_start3A_113 = arith.constant 0 : i32
    %dma_start3A_114 = tpu.memref_slice %arg4[%dma_start3A_112, %dma_start3A_113] : memref<3364x128xf32, #tpu.memory_space<hbm>> -> memref<3364x128xf32, #tpu.memory_space<hbm>>
    %dma_start3A_115 = tpu.memref_slice %arg11[%dma_start3A_104] : memref<4x!tpu.dma_semaphore, #tpu.memory_space<semaphore_mem>> -> memref<1x!tpu.dma_semaphore, #tpu.memory_space<semaphore_mem>>
    %dma_start3A_116 = tpu.memref_squeeze %dma_start3A_115 : memref<1x!tpu.dma_semaphore, #tpu.memory_space<semaphore_mem>> -> memref<!tpu.dma_semaphore, #tpu.memory_space<semaphore_mem>>
    tpu.enqueue_indirect_dma source(%dma_start3A_114 : memref<3364x128xf32, #tpu.memory_space<hbm>>) target(%dma_start3A_108 : memref<128x128xf32, #tpu.memory_space<vmem>>) offsets(%dma_start3A_111 : memref<128xi32, #tpu.memory_space<vmem>>) semaphore(%dma_start3A_116 : memref<!tpu.dma_semaphore, #tpu.memory_space<semaphore_mem>>)
    %run_scoped3A_117 = arith.constant 1 : i32
    %run_scoped3A_118 = arith.constant 1 : i32
    "tpu.region"() ({
      %run_scoped3A_239 = tpu.sem_alloc : memref<!tpu.dma_semaphore, #tpu.memory_space<semaphore_mem>>
      %dma_start3A_240 = arith.constant 0 : i32
      %dma_start3A_241 = arith.constant 0 : i32
      %dma_start3A_242 = tpu.memref_slice %arg9[%run_scoped3A_117, %dma_start3A_240, %dma_start3A_241] : memref<4x128x128xf32, #tpu.memory_space<vmem>> -> memref<1x128x128xf32, #tpu.memory_space<vmem>>
      %dma_start3A_243 = tpu.memref_squeeze %dma_start3A_242 : memref<1x128x128xf32, #tpu.memory_space<vmem>> -> memref<128x128xf32, #tpu.memory_space<vmem>>
      %dma_start3A_244 = arith.constant 0 : i32
      %dma_start3A_245 = tpu.memref_slice %arg8[%run_scoped3A_118, %dma_start3A_244] : memref<7x128xi32, #tpu.memory_space<vmem>> -> memref<1x128xi32, #tpu.memory_space<vmem>>
      %dma_start3A_246 = tpu.memref_squeeze %dma_start3A_245 : memref<1x128xi32, #tpu.memory_space<vmem>> -> memref<128xi32, #tpu.memory_space<vmem>>
      %dma_start3A_247 = arith.constant 0 : i32
      %dma_start3A_248 = arith.constant 0 : i32
      %dma_start3A_249 = tpu.memref_slice %arg10[%dma_start3A_247, %dma_start3A_248] : memref<3200x128xf32, #tpu.memory_space<vmem_shared>> -> memref<3200x128xf32, #tpu.memory_space<vmem_shared>>
      tpu.enqueue_indirect_dma source(%dma_start3A_243 : memref<128x128xf32, #tpu.memory_space<vmem>>) target(%dma_start3A_249 : memref<3200x128xf32, #tpu.memory_space<vmem_shared>>) offsets(%dma_start3A_246 : memref<128xi32, #tpu.memory_space<vmem>>) semaphore(%run_scoped3A_239 : memref<!tpu.dma_semaphore, #tpu.memory_space<semaphore_mem>>) {add = true}
      %dma_wait3A_250 = arith.constant 0 : i32
      %dma_wait3A_251 = arith.constant 0 : i32
      %dma_wait3A_252 = tpu.memref_slice %arg9[%run_scoped3A_117, %dma_wait3A_250, %dma_wait3A_251] : memref<4x128x128xf32, #tpu.memory_space<vmem>> -> memref<1x128x128xf32, #tpu.memory_space<vmem>>
      %dma_wait3A_253 = tpu.memref_squeeze %dma_wait3A_252 : memref<1x128x128xf32, #tpu.memory_space<vmem>> -> memref<128x128xf32, #tpu.memory_space<vmem>>
      %dma_wait3A_254 = arith.constant 0 : i32
      %dma_wait3A_255 = tpu.memref_slice %arg8[%run_scoped3A_118, %dma_wait3A_254] : memref<7x128xi32, #tpu.memory_space<vmem>> -> memref<1x128xi32, #tpu.memory_space<vmem>>
      %dma_wait3A_256 = tpu.memref_squeeze %dma_wait3A_255 : memref<1x128xi32, #tpu.memory_space<vmem>> -> memref<128xi32, #tpu.memory_space<vmem>>
      %dma_wait3A_257 = arith.constant 0 : i32
      %dma_wait3A_258 = arith.constant 0 : i32
      %dma_wait3A_259 = tpu.memref_slice %arg10[%dma_wait3A_257, %dma_wait3A_258] : memref<3200x128xf32, #tpu.memory_space<vmem_shared>> -> memref<3200x128xf32, #tpu.memory_space<vmem_shared>>
      tpu.wait_indirect_dma semaphore(%run_scoped3A_239 : memref<!tpu.dma_semaphore, #tpu.memory_space<semaphore_mem>>) src(%dma_wait3A_253 : memref<128x128xf32, #tpu.memory_space<vmem>>) dst(%dma_wait3A_259 : memref<3200x128xf32, #tpu.memory_space<vmem_shared>>)
      tpu.yield
    }) : () -> ()
    %dma_wait3A_119 = arith.constant 2 : i32
    %dma_wait3A_120 = arith.constant 2 : i32
    %dma_wait3A_121 = arith.constant 2 : i32
    %dma_wait3A_122 = arith.constant 0 : i32
    %dma_wait3A_123 = arith.constant 0 : i32
    %dma_wait3A_124 = tpu.memref_slice %arg9[%dma_wait3A_120, %dma_wait3A_122, %dma_wait3A_123] : memref<4x128x128xf32, #tpu.memory_space<vmem>> -> memref<1x128x128xf32, #tpu.memory_space<vmem>>
    %dma_wait3A_125 = tpu.memref_squeeze %dma_wait3A_124 : memref<1x128x128xf32, #tpu.memory_space<vmem>> -> memref<128x128xf32, #tpu.memory_space<vmem>>
    %dma_wait3A_126 = arith.constant 0 : i32
    %dma_wait3A_127 = tpu.memref_slice %arg7[%dma_wait3A_119, %dma_wait3A_126] : memref<7x128xi32, #tpu.memory_space<vmem>> -> memref<1x128xi32, #tpu.memory_space<vmem>>
    %dma_wait3A_128 = tpu.memref_squeeze %dma_wait3A_127 : memref<1x128xi32, #tpu.memory_space<vmem>> -> memref<128xi32, #tpu.memory_space<vmem>>
    %dma_wait3A_129 = arith.constant 0 : i32
    %dma_wait3A_130 = arith.constant 0 : i32
    %dma_wait3A_131 = tpu.memref_slice %arg4[%dma_wait3A_129, %dma_wait3A_130] : memref<3364x128xf32, #tpu.memory_space<hbm>> -> memref<3364x128xf32, #tpu.memory_space<hbm>>
    %dma_wait3A_132 = tpu.memref_slice %arg11[%dma_wait3A_121] : memref<4x!tpu.dma_semaphore, #tpu.memory_space<semaphore_mem>> -> memref<1x!tpu.dma_semaphore, #tpu.memory_space<semaphore_mem>>
    %dma_wait3A_133 = tpu.memref_squeeze %dma_wait3A_132 : memref<1x!tpu.dma_semaphore, #tpu.memory_space<semaphore_mem>> -> memref<!tpu.dma_semaphore, #tpu.memory_space<semaphore_mem>>
    tpu.wait_indirect_dma semaphore(%dma_wait3A_133 : memref<!tpu.dma_semaphore, #tpu.memory_space<semaphore_mem>>) src(%dma_wait3A_131 : memref<3364x128xf32, #tpu.memory_space<hbm>>) dst(%dma_wait3A_125 : memref<128x128xf32, #tpu.memory_space<vmem>>)
    %dma_start3A_134 = arith.constant 5 : i32
    %dma_start3A_135 = arith.constant 1 : i32
    %dma_start3A_136 = arith.constant 1 : i32
    %dma_start3A_137 = arith.constant 0 : i32
    %dma_start3A_138 = arith.constant 0 : i32
    %dma_start3A_139 = tpu.memref_slice %arg9[%dma_start3A_135, %dma_start3A_137, %dma_start3A_138] : memref<4x128x128xf32, #tpu.memory_space<vmem>> -> memref<1x128x128xf32, #tpu.memory_space<vmem>>
    %dma_start3A_140 = tpu.memref_squeeze %dma_start3A_139 : memref<1x128x128xf32, #tpu.memory_space<vmem>> -> memref<128x128xf32, #tpu.memory_space<vmem>>
    %dma_start3A_141 = arith.constant 0 : i32
    %dma_start3A_142 = tpu.memref_slice %arg7[%dma_start3A_134, %dma_start3A_141] : memref<7x128xi32, #tpu.memory_space<vmem>> -> memref<1x128xi32, #tpu.memory_space<vmem>>
    %dma_start3A_143 = tpu.memref_squeeze %dma_start3A_142 : memref<1x128xi32, #tpu.memory_space<vmem>> -> memref<128xi32, #tpu.memory_space<vmem>>
    %dma_start3A_144 = arith.constant 0 : i32
    %dma_start3A_145 = arith.constant 0 : i32
    %dma_start3A_146 = tpu.memref_slice %arg4[%dma_start3A_144, %dma_start3A_145] : memref<3364x128xf32, #tpu.memory_space<hbm>> -> memref<3364x128xf32, #tpu.memory_space<hbm>>
    %dma_start3A_147 = tpu.memref_slice %arg11[%dma_start3A_136] : memref<4x!tpu.dma_semaphore, #tpu.memory_space<semaphore_mem>> -> memref<1x!tpu.dma_semaphore, #tpu.memory_space<semaphore_mem>>
    %dma_start3A_148 = tpu.memref_squeeze %dma_start3A_147 : memref<1x!tpu.dma_semaphore, #tpu.memory_space<semaphore_mem>> -> memref<!tpu.dma_semaphore, #tpu.memory_space<semaphore_mem>>
    tpu.enqueue_indirect_dma source(%dma_start3A_146 : memref<3364x128xf32, #tpu.memory_space<hbm>>) target(%dma_start3A_140 : memref<128x128xf32, #tpu.memory_space<vmem>>) offsets(%dma_start3A_143 : memref<128xi32, #tpu.memory_space<vmem>>) semaphore(%dma_start3A_148 : memref<!tpu.dma_semaphore, #tpu.memory_space<semaphore_mem>>)
    %run_scoped3A_149 = arith.constant 2 : i32
    %run_scoped3A_150 = arith.constant 2 : i32
    "tpu.region"() ({
      %run_scoped3A_239 = tpu.sem_alloc : memref<!tpu.dma_semaphore, #tpu.memory_space<semaphore_mem>>
      %dma_start3A_240 = arith.constant 0 : i32
      %dma_start3A_241 = arith.constant 0 : i32
      %dma_start3A_242 = tpu.memref_slice %arg9[%run_scoped3A_149, %dma_start3A_240, %dma_start3A_241] : memref<4x128x128xf32, #tpu.memory_space<vmem>> -> memref<1x128x128xf32, #tpu.memory_space<vmem>>
      %dma_start3A_243 = tpu.memref_squeeze %dma_start3A_242 : memref<1x128x128xf32, #tpu.memory_space<vmem>> -> memref<128x128xf32, #tpu.memory_space<vmem>>
      %dma_start3A_244 = arith.constant 0 : i32
      %dma_start3A_245 = tpu.memref_slice %arg8[%run_scoped3A_150, %dma_start3A_244] : memref<7x128xi32, #tpu.memory_space<vmem>> -> memref<1x128xi32, #tpu.memory_space<vmem>>
      %dma_start3A_246 = tpu.memref_squeeze %dma_start3A_245 : memref<1x128xi32, #tpu.memory_space<vmem>> -> memref<128xi32, #tpu.memory_space<vmem>>
      %dma_start3A_247 = arith.constant 0 : i32
      %dma_start3A_248 = arith.constant 0 : i32
      %dma_start3A_249 = tpu.memref_slice %arg10[%dma_start3A_247, %dma_start3A_248] : memref<3200x128xf32, #tpu.memory_space<vmem_shared>> -> memref<3200x128xf32, #tpu.memory_space<vmem_shared>>
      tpu.enqueue_indirect_dma source(%dma_start3A_243 : memref<128x128xf32, #tpu.memory_space<vmem>>) target(%dma_start3A_249 : memref<3200x128xf32, #tpu.memory_space<vmem_shared>>) offsets(%dma_start3A_246 : memref<128xi32, #tpu.memory_space<vmem>>) semaphore(%run_scoped3A_239 : memref<!tpu.dma_semaphore, #tpu.memory_space<semaphore_mem>>) {add = true}
      %dma_wait3A_250 = arith.constant 0 : i32
      %dma_wait3A_251 = arith.constant 0 : i32
      %dma_wait3A_252 = tpu.memref_slice %arg9[%run_scoped3A_149, %dma_wait3A_250, %dma_wait3A_251] : memref<4x128x128xf32, #tpu.memory_space<vmem>> -> memref<1x128x128xf32, #tpu.memory_space<vmem>>
      %dma_wait3A_253 = tpu.memref_squeeze %dma_wait3A_252 : memref<1x128x128xf32, #tpu.memory_space<vmem>> -> memref<128x128xf32, #tpu.memory_space<vmem>>
      %dma_wait3A_254 = arith.constant 0 : i32
      %dma_wait3A_255 = tpu.memref_slice %arg8[%run_scoped3A_150, %dma_wait3A_254] : memref<7x128xi32, #tpu.memory_space<vmem>> -> memref<1x128xi32, #tpu.memory_space<vmem>>
      %dma_wait3A_256 = tpu.memref_squeeze %dma_wait3A_255 : memref<1x128xi32, #tpu.memory_space<vmem>> -> memref<128xi32, #tpu.memory_space<vmem>>
      %dma_wait3A_257 = arith.constant 0 : i32
      %dma_wait3A_258 = arith.constant 0 : i32
      %dma_wait3A_259 = tpu.memref_slice %arg10[%dma_wait3A_257, %dma_wait3A_258] : memref<3200x128xf32, #tpu.memory_space<vmem_shared>> -> memref<3200x128xf32, #tpu.memory_space<vmem_shared>>
      tpu.wait_indirect_dma semaphore(%run_scoped3A_239 : memref<!tpu.dma_semaphore, #tpu.memory_space<semaphore_mem>>) src(%dma_wait3A_253 : memref<128x128xf32, #tpu.memory_space<vmem>>) dst(%dma_wait3A_259 : memref<3200x128xf32, #tpu.memory_space<vmem_shared>>)
      tpu.yield
    }) : () -> ()
    %dma_wait3A_151 = arith.constant 3 : i32
    %dma_wait3A_152 = arith.constant 3 : i32
    %dma_wait3A_153 = arith.constant 3 : i32
    %dma_wait3A_154 = arith.constant 0 : i32
    %dma_wait3A_155 = arith.constant 0 : i32
    %dma_wait3A_156 = tpu.memref_slice %arg9[%dma_wait3A_152, %dma_wait3A_154, %dma_wait3A_155] : memref<4x128x128xf32, #tpu.memory_space<vmem>> -> memref<1x128x128xf32, #tpu.memory_space<vmem>>
    %dma_wait3A_157 = tpu.memref_squeeze %dma_wait3A_156 : memref<1x128x128xf32, #tpu.memory_space<vmem>> -> memref<128x128xf32, #tpu.memory_space<vmem>>
    %dma_wait3A_158 = arith.constant 0 : i32
    %dma_wait3A_159 = tpu.memref_slice %arg7[%dma_wait3A_151, %dma_wait3A_158] : memref<7x128xi32, #tpu.memory_space<vmem>> -> memref<1x128xi32, #tpu.memory_space<vmem>>
    %dma_wait3A_160 = tpu.memref_squeeze %dma_wait3A_159 : memref<1x128xi32, #tpu.memory_space<vmem>> -> memref<128xi32, #tpu.memory_space<vmem>>
    %dma_wait3A_161 = arith.constant 0 : i32
    %dma_wait3A_162 = arith.constant 0 : i32
    %dma_wait3A_163 = tpu.memref_slice %arg4[%dma_wait3A_161, %dma_wait3A_162] : memref<3364x128xf32, #tpu.memory_space<hbm>> -> memref<3364x128xf32, #tpu.memory_space<hbm>>
    %dma_wait3A_164 = tpu.memref_slice %arg11[%dma_wait3A_153] : memref<4x!tpu.dma_semaphore, #tpu.memory_space<semaphore_mem>> -> memref<1x!tpu.dma_semaphore, #tpu.memory_space<semaphore_mem>>
    %dma_wait3A_165 = tpu.memref_squeeze %dma_wait3A_164 : memref<1x!tpu.dma_semaphore, #tpu.memory_space<semaphore_mem>> -> memref<!tpu.dma_semaphore, #tpu.memory_space<semaphore_mem>>
    tpu.wait_indirect_dma semaphore(%dma_wait3A_165 : memref<!tpu.dma_semaphore, #tpu.memory_space<semaphore_mem>>) src(%dma_wait3A_163 : memref<3364x128xf32, #tpu.memory_space<hbm>>) dst(%dma_wait3A_157 : memref<128x128xf32, #tpu.memory_space<vmem>>)
    %dma_start3A_166 = arith.constant 6 : i32
    %dma_start3A_167 = arith.constant 2 : i32
    %dma_start3A_168 = arith.constant 2 : i32
    %dma_start3A_169 = arith.constant 0 : i32
    %dma_start3A_170 = arith.constant 0 : i32
    %dma_start3A_171 = tpu.memref_slice %arg9[%dma_start3A_167, %dma_start3A_169, %dma_start3A_170] : memref<4x128x128xf32, #tpu.memory_space<vmem>> -> memref<1x128x128xf32, #tpu.memory_space<vmem>>
    %dma_start3A_172 = tpu.memref_squeeze %dma_start3A_171 : memref<1x128x128xf32, #tpu.memory_space<vmem>> -> memref<128x128xf32, #tpu.memory_space<vmem>>
    %dma_start3A_173 = arith.constant 0 : i32
    %dma_start3A_174 = tpu.memref_slice %arg7[%dma_start3A_166, %dma_start3A_173] : memref<7x128xi32, #tpu.memory_space<vmem>> -> memref<1x128xi32, #tpu.memory_space<vmem>>
    %dma_start3A_175 = tpu.memref_squeeze %dma_start3A_174 : memref<1x128xi32, #tpu.memory_space<vmem>> -> memref<128xi32, #tpu.memory_space<vmem>>
    %dma_start3A_176 = arith.constant 0 : i32
    %dma_start3A_177 = arith.constant 0 : i32
    %dma_start3A_178 = tpu.memref_slice %arg4[%dma_start3A_176, %dma_start3A_177] : memref<3364x128xf32, #tpu.memory_space<hbm>> -> memref<3364x128xf32, #tpu.memory_space<hbm>>
    %dma_start3A_179 = tpu.memref_slice %arg11[%dma_start3A_168] : memref<4x!tpu.dma_semaphore, #tpu.memory_space<semaphore_mem>> -> memref<1x!tpu.dma_semaphore, #tpu.memory_space<semaphore_mem>>
    %dma_start3A_180 = tpu.memref_squeeze %dma_start3A_179 : memref<1x!tpu.dma_semaphore, #tpu.memory_space<semaphore_mem>> -> memref<!tpu.dma_semaphore, #tpu.memory_space<semaphore_mem>>
    tpu.enqueue_indirect_dma source(%dma_start3A_178 : memref<3364x128xf32, #tpu.memory_space<hbm>>) target(%dma_start3A_172 : memref<128x128xf32, #tpu.memory_space<vmem>>) offsets(%dma_start3A_175 : memref<128xi32, #tpu.memory_space<vmem>>) semaphore(%dma_start3A_180 : memref<!tpu.dma_semaphore, #tpu.memory_space<semaphore_mem>>)
    %run_scoped3A_181 = arith.constant 3 : i32
    %run_scoped3A_182 = arith.constant 3 : i32
    "tpu.region"() ({
      %run_scoped3A_239 = tpu.sem_alloc : memref<!tpu.dma_semaphore, #tpu.memory_space<semaphore_mem>>
      %dma_start3A_240 = arith.constant 0 : i32
      %dma_start3A_241 = arith.constant 0 : i32
      %dma_start3A_242 = tpu.memref_slice %arg9[%run_scoped3A_181, %dma_start3A_240, %dma_start3A_241] : memref<4x128x128xf32, #tpu.memory_space<vmem>> -> memref<1x128x128xf32, #tpu.memory_space<vmem>>
      %dma_start3A_243 = tpu.memref_squeeze %dma_start3A_242 : memref<1x128x128xf32, #tpu.memory_space<vmem>> -> memref<128x128xf32, #tpu.memory_space<vmem>>
      %dma_start3A_244 = arith.constant 0 : i32
      %dma_start3A_245 = tpu.memref_slice %arg8[%run_scoped3A_182, %dma_start3A_244] : memref<7x128xi32, #tpu.memory_space<vmem>> -> memref<1x128xi32, #tpu.memory_space<vmem>>
      %dma_start3A_246 = tpu.memref_squeeze %dma_start3A_245 : memref<1x128xi32, #tpu.memory_space<vmem>> -> memref<128xi32, #tpu.memory_space<vmem>>
      %dma_start3A_247 = arith.constant 0 : i32
      %dma_start3A_248 = arith.constant 0 : i32
      %dma_start3A_249 = tpu.memref_slice %arg10[%dma_start3A_247, %dma_start3A_248] : memref<3200x128xf32, #tpu.memory_space<vmem_shared>> -> memref<3200x128xf32, #tpu.memory_space<vmem_shared>>
      tpu.enqueue_indirect_dma source(%dma_start3A_243 : memref<128x128xf32, #tpu.memory_space<vmem>>) target(%dma_start3A_249 : memref<3200x128xf32, #tpu.memory_space<vmem_shared>>) offsets(%dma_start3A_246 : memref<128xi32, #tpu.memory_space<vmem>>) semaphore(%run_scoped3A_239 : memref<!tpu.dma_semaphore, #tpu.memory_space<semaphore_mem>>) {add = true}
      %dma_wait3A_250 = arith.constant 0 : i32
      %dma_wait3A_251 = arith.constant 0 : i32
      %dma_wait3A_252 = tpu.memref_slice %arg9[%run_scoped3A_181, %dma_wait3A_250, %dma_wait3A_251] : memref<4x128x128xf32, #tpu.memory_space<vmem>> -> memref<1x128x128xf32, #tpu.memory_space<vmem>>
      %dma_wait3A_253 = tpu.memref_squeeze %dma_wait3A_252 : memref<1x128x128xf32, #tpu.memory_space<vmem>> -> memref<128x128xf32, #tpu.memory_space<vmem>>
      %dma_wait3A_254 = arith.constant 0 : i32
      %dma_wait3A_255 = tpu.memref_slice %arg8[%run_scoped3A_182, %dma_wait3A_254] : memref<7x128xi32, #tpu.memory_space<vmem>> -> memref<1x128xi32, #tpu.memory_space<vmem>>
      %dma_wait3A_256 = tpu.memref_squeeze %dma_wait3A_255 : memref<1x128xi32, #tpu.memory_space<vmem>> -> memref<128xi32, #tpu.memory_space<vmem>>
      %dma_wait3A_257 = arith.constant 0 : i32
      %dma_wait3A_258 = arith.constant 0 : i32
      %dma_wait3A_259 = tpu.memref_slice %arg10[%dma_wait3A_257, %dma_wait3A_258] : memref<3200x128xf32, #tpu.memory_space<vmem_shared>> -> memref<3200x128xf32, #tpu.memory_space<vmem_shared>>
      tpu.wait_indirect_dma semaphore(%run_scoped3A_239 : memref<!tpu.dma_semaphore, #tpu.memory_space<semaphore_mem>>) src(%dma_wait3A_253 : memref<128x128xf32, #tpu.memory_space<vmem>>) dst(%dma_wait3A_259 : memref<3200x128xf32, #tpu.memory_space<vmem_shared>>)
      tpu.yield
    }) : () -> ()
    %dma_wait3A_183 = arith.constant 4 : i32
    %dma_wait3A_184 = arith.constant 0 : i32
    %dma_wait3A_185 = arith.constant 0 : i32
    %dma_wait3A_186 = arith.constant 0 : i32
    %dma_wait3A_187 = arith.constant 0 : i32
    %dma_wait3A_188 = tpu.memref_slice %arg9[%dma_wait3A_184, %dma_wait3A_186, %dma_wait3A_187] : memref<4x128x128xf32, #tpu.memory_space<vmem>> -> memref<1x128x128xf32, #tpu.memory_space<vmem>>
    %dma_wait3A_189 = tpu.memref_squeeze %dma_wait3A_188 : memref<1x128x128xf32, #tpu.memory_space<vmem>> -> memref<128x128xf32, #tpu.memory_space<vmem>>
    %dma_wait3A_190 = arith.constant 0 : i32
    %dma_wait3A_191 = tpu.memref_slice %arg7[%dma_wait3A_183, %dma_wait3A_190] : memref<7x128xi32, #tpu.memory_space<vmem>> -> memref<1x128xi32, #tpu.memory_space<vmem>>
    %dma_wait3A_192 = tpu.memref_squeeze %dma_wait3A_191 : memref<1x128xi32, #tpu.memory_space<vmem>> -> memref<128xi32, #tpu.memory_space<vmem>>
    %dma_wait3A_193 = arith.constant 0 : i32
    %dma_wait3A_194 = arith.constant 0 : i32
    %dma_wait3A_195 = tpu.memref_slice %arg4[%dma_wait3A_193, %dma_wait3A_194] : memref<3364x128xf32, #tpu.memory_space<hbm>> -> memref<3364x128xf32, #tpu.memory_space<hbm>>
    %dma_wait3A_196 = tpu.memref_slice %arg11[%dma_wait3A_185] : memref<4x!tpu.dma_semaphore, #tpu.memory_space<semaphore_mem>> -> memref<1x!tpu.dma_semaphore, #tpu.memory_space<semaphore_mem>>
    %dma_wait3A_197 = tpu.memref_squeeze %dma_wait3A_196 : memref<1x!tpu.dma_semaphore, #tpu.memory_space<semaphore_mem>> -> memref<!tpu.dma_semaphore, #tpu.memory_space<semaphore_mem>>
    tpu.wait_indirect_dma semaphore(%dma_wait3A_197 : memref<!tpu.dma_semaphore, #tpu.memory_space<semaphore_mem>>) src(%dma_wait3A_195 : memref<3364x128xf32, #tpu.memory_space<hbm>>) dst(%dma_wait3A_189 : memref<128x128xf32, #tpu.memory_space<vmem>>)
    %run_scoped3A_198 = arith.constant 0 : i32
    %run_scoped3A_199 = arith.constant 4 : i32
    "tpu.region"() ({
      %run_scoped3A_239 = tpu.sem_alloc : memref<!tpu.dma_semaphore, #tpu.memory_space<semaphore_mem>>
      %dma_start3A_240 = arith.constant 0 : i32
      %dma_start3A_241 = arith.constant 0 : i32
      %dma_start3A_242 = tpu.memref_slice %arg9[%run_scoped3A_198, %dma_start3A_240, %dma_start3A_241] : memref<4x128x128xf32, #tpu.memory_space<vmem>> -> memref<1x128x128xf32, #tpu.memory_space<vmem>>
      %dma_start3A_243 = tpu.memref_squeeze %dma_start3A_242 : memref<1x128x128xf32, #tpu.memory_space<vmem>> -> memref<128x128xf32, #tpu.memory_space<vmem>>
      %dma_start3A_244 = arith.constant 0 : i32
      %dma_start3A_245 = tpu.memref_slice %arg8[%run_scoped3A_199, %dma_start3A_244] : memref<7x128xi32, #tpu.memory_space<vmem>> -> memref<1x128xi32, #tpu.memory_space<vmem>>
      %dma_start3A_246 = tpu.memref_squeeze %dma_start3A_245 : memref<1x128xi32, #tpu.memory_space<vmem>> -> memref<128xi32, #tpu.memory_space<vmem>>
      %dma_start3A_247 = arith.constant 0 : i32
      %dma_start3A_248 = arith.constant 0 : i32
      %dma_start3A_249 = tpu.memref_slice %arg10[%dma_start3A_247, %dma_start3A_248] : memref<3200x128xf32, #tpu.memory_space<vmem_shared>> -> memref<3200x128xf32, #tpu.memory_space<vmem_shared>>
      tpu.enqueue_indirect_dma source(%dma_start3A_243 : memref<128x128xf32, #tpu.memory_space<vmem>>) target(%dma_start3A_249 : memref<3200x128xf32, #tpu.memory_space<vmem_shared>>) offsets(%dma_start3A_246 : memref<128xi32, #tpu.memory_space<vmem>>) semaphore(%run_scoped3A_239 : memref<!tpu.dma_semaphore, #tpu.memory_space<semaphore_mem>>) {add = true}
      %dma_wait3A_250 = arith.constant 0 : i32
      %dma_wait3A_251 = arith.constant 0 : i32
      %dma_wait3A_252 = tpu.memref_slice %arg9[%run_scoped3A_198, %dma_wait3A_250, %dma_wait3A_251] : memref<4x128x128xf32, #tpu.memory_space<vmem>> -> memref<1x128x128xf32, #tpu.memory_space<vmem>>
      %dma_wait3A_253 = tpu.memref_squeeze %dma_wait3A_252 : memref<1x128x128xf32, #tpu.memory_space<vmem>> -> memref<128x128xf32, #tpu.memory_space<vmem>>
      %dma_wait3A_254 = arith.constant 0 : i32
      %dma_wait3A_255 = tpu.memref_slice %arg8[%run_scoped3A_199, %dma_wait3A_254] : memref<7x128xi32, #tpu.memory_space<vmem>> -> memref<1x128xi32, #tpu.memory_space<vmem>>
      %dma_wait3A_256 = tpu.memref_squeeze %dma_wait3A_255 : memref<1x128xi32, #tpu.memory_space<vmem>> -> memref<128xi32, #tpu.memory_space<vmem>>
      %dma_wait3A_257 = arith.constant 0 : i32
      %dma_wait3A_258 = arith.constant 0 : i32
      %dma_wait3A_259 = tpu.memref_slice %arg10[%dma_wait3A_257, %dma_wait3A_258] : memref<3200x128xf32, #tpu.memory_space<vmem_shared>> -> memref<3200x128xf32, #tpu.memory_space<vmem_shared>>
      tpu.wait_indirect_dma semaphore(%run_scoped3A_239 : memref<!tpu.dma_semaphore, #tpu.memory_space<semaphore_mem>>) src(%dma_wait3A_253 : memref<128x128xf32, #tpu.memory_space<vmem>>) dst(%dma_wait3A_259 : memref<3200x128xf32, #tpu.memory_space<vmem_shared>>)
      tpu.yield
    }) : () -> ()
    %dma_wait3A_200 = arith.constant 5 : i32
    %dma_wait3A_201 = arith.constant 1 : i32
    %dma_wait3A_202 = arith.constant 1 : i32
    %dma_wait3A_203 = arith.constant 0 : i32
    %dma_wait3A_204 = arith.constant 0 : i32
    %dma_wait3A_205 = tpu.memref_slice %arg9[%dma_wait3A_201, %dma_wait3A_203, %dma_wait3A_204] : memref<4x128x128xf32, #tpu.memory_space<vmem>> -> memref<1x128x128xf32, #tpu.memory_space<vmem>>
    %dma_wait3A_206 = tpu.memref_squeeze %dma_wait3A_205 : memref<1x128x128xf32, #tpu.memory_space<vmem>> -> memref<128x128xf32, #tpu.memory_space<vmem>>
    %dma_wait3A_207 = arith.constant 0 : i32
    %dma_wait3A_208 = tpu.memref_slice %arg7[%dma_wait3A_200, %dma_wait3A_207] : memref<7x128xi32, #tpu.memory_space<vmem>> -> memref<1x128xi32, #tpu.memory_space<vmem>>
    %dma_wait3A_209 = tpu.memref_squeeze %dma_wait3A_208 : memref<1x128xi32, #tpu.memory_space<vmem>> -> memref<128xi32, #tpu.memory_space<vmem>>
    %dma_wait3A_210 = arith.constant 0 : i32
    %dma_wait3A_211 = arith.constant 0 : i32
    %dma_wait3A_212 = tpu.memref_slice %arg4[%dma_wait3A_210, %dma_wait3A_211] : memref<3364x128xf32, #tpu.memory_space<hbm>> -> memref<3364x128xf32, #tpu.memory_space<hbm>>
    %dma_wait3A_213 = tpu.memref_slice %arg11[%dma_wait3A_202] : memref<4x!tpu.dma_semaphore, #tpu.memory_space<semaphore_mem>> -> memref<1x!tpu.dma_semaphore, #tpu.memory_space<semaphore_mem>>
    %dma_wait3A_214 = tpu.memref_squeeze %dma_wait3A_213 : memref<1x!tpu.dma_semaphore, #tpu.memory_space<semaphore_mem>> -> memref<!tpu.dma_semaphore, #tpu.memory_space<semaphore_mem>>
    tpu.wait_indirect_dma semaphore(%dma_wait3A_214 : memref<!tpu.dma_semaphore, #tpu.memory_space<semaphore_mem>>) src(%dma_wait3A_212 : memref<3364x128xf32, #tpu.memory_space<hbm>>) dst(%dma_wait3A_206 : memref<128x128xf32, #tpu.memory_space<vmem>>)
    %run_scoped3A_215 = arith.constant 1 : i32
    %run_scoped3A_216 = arith.constant 5 : i32
    "tpu.region"() ({
      %run_scoped3A_239 = tpu.sem_alloc : memref<!tpu.dma_semaphore, #tpu.memory_space<semaphore_mem>>
      %dma_start3A_240 = arith.constant 0 : i32
      %dma_start3A_241 = arith.constant 0 : i32
      %dma_start3A_242 = tpu.memref_slice %arg9[%run_scoped3A_215, %dma_start3A_240, %dma_start3A_241] : memref<4x128x128xf32, #tpu.memory_space<vmem>> -> memref<1x128x128xf32, #tpu.memory_space<vmem>>
      %dma_start3A_243 = tpu.memref_squeeze %dma_start3A_242 : memref<1x128x128xf32, #tpu.memory_space<vmem>> -> memref<128x128xf32, #tpu.memory_space<vmem>>
      %dma_start3A_244 = arith.constant 0 : i32
      %dma_start3A_245 = tpu.memref_slice %arg8[%run_scoped3A_216, %dma_start3A_244] : memref<7x128xi32, #tpu.memory_space<vmem>> -> memref<1x128xi32, #tpu.memory_space<vmem>>
      %dma_start3A_246 = tpu.memref_squeeze %dma_start3A_245 : memref<1x128xi32, #tpu.memory_space<vmem>> -> memref<128xi32, #tpu.memory_space<vmem>>
      %dma_start3A_247 = arith.constant 0 : i32
      %dma_start3A_248 = arith.constant 0 : i32
      %dma_start3A_249 = tpu.memref_slice %arg10[%dma_start3A_247, %dma_start3A_248] : memref<3200x128xf32, #tpu.memory_space<vmem_shared>> -> memref<3200x128xf32, #tpu.memory_space<vmem_shared>>
      tpu.enqueue_indirect_dma source(%dma_start3A_243 : memref<128x128xf32, #tpu.memory_space<vmem>>) target(%dma_start3A_249 : memref<3200x128xf32, #tpu.memory_space<vmem_shared>>) offsets(%dma_start3A_246 : memref<128xi32, #tpu.memory_space<vmem>>) semaphore(%run_scoped3A_239 : memref<!tpu.dma_semaphore, #tpu.memory_space<semaphore_mem>>) {add = true}
      %dma_wait3A_250 = arith.constant 0 : i32
      %dma_wait3A_251 = arith.constant 0 : i32
      %dma_wait3A_252 = tpu.memref_slice %arg9[%run_scoped3A_215, %dma_wait3A_250, %dma_wait3A_251] : memref<4x128x128xf32, #tpu.memory_space<vmem>> -> memref<1x128x128xf32, #tpu.memory_space<vmem>>
      %dma_wait3A_253 = tpu.memref_squeeze %dma_wait3A_252 : memref<1x128x128xf32, #tpu.memory_space<vmem>> -> memref<128x128xf32, #tpu.memory_space<vmem>>
      %dma_wait3A_254 = arith.constant 0 : i32
      %dma_wait3A_255 = tpu.memref_slice %arg8[%run_scoped3A_216, %dma_wait3A_254] : memref<7x128xi32, #tpu.memory_space<vmem>> -> memref<1x128xi32, #tpu.memory_space<vmem>>
      %dma_wait3A_256 = tpu.memref_squeeze %dma_wait3A_255 : memref<1x128xi32, #tpu.memory_space<vmem>> -> memref<128xi32, #tpu.memory_space<vmem>>
      %dma_wait3A_257 = arith.constant 0 : i32
      %dma_wait3A_258 = arith.constant 0 : i32
      %dma_wait3A_259 = tpu.memref_slice %arg10[%dma_wait3A_257, %dma_wait3A_258] : memref<3200x128xf32, #tpu.memory_space<vmem_shared>> -> memref<3200x128xf32, #tpu.memory_space<vmem_shared>>
      tpu.wait_indirect_dma semaphore(%run_scoped3A_239 : memref<!tpu.dma_semaphore, #tpu.memory_space<semaphore_mem>>) src(%dma_wait3A_253 : memref<128x128xf32, #tpu.memory_space<vmem>>) dst(%dma_wait3A_259 : memref<3200x128xf32, #tpu.memory_space<vmem_shared>>)
      tpu.yield
    }) : () -> ()
    %dma_wait3A_217 = arith.constant 6 : i32
    %dma_wait3A_218 = arith.constant 2 : i32
    %dma_wait3A_219 = arith.constant 2 : i32
    %dma_wait3A_220 = arith.constant 0 : i32
    %dma_wait3A_221 = arith.constant 0 : i32
    %dma_wait3A_222 = tpu.memref_slice %arg9[%dma_wait3A_218, %dma_wait3A_220, %dma_wait3A_221] : memref<4x128x128xf32, #tpu.memory_space<vmem>> -> memref<1x128x128xf32, #tpu.memory_space<vmem>>
    %dma_wait3A_223 = tpu.memref_squeeze %dma_wait3A_222 : memref<1x128x128xf32, #tpu.memory_space<vmem>> -> memref<128x128xf32, #tpu.memory_space<vmem>>
    %dma_wait3A_224 = arith.constant 0 : i32
    %dma_wait3A_225 = tpu.memref_slice %arg7[%dma_wait3A_217, %dma_wait3A_224] : memref<7x128xi32, #tpu.memory_space<vmem>> -> memref<1x128xi32, #tpu.memory_space<vmem>>
    %dma_wait3A_226 = tpu.memref_squeeze %dma_wait3A_225 : memref<1x128xi32, #tpu.memory_space<vmem>> -> memref<128xi32, #tpu.memory_space<vmem>>
    %dma_wait3A_227 = arith.constant 0 : i32
    %dma_wait3A_228 = arith.constant 0 : i32
    %dma_wait3A_229 = tpu.memref_slice %arg4[%dma_wait3A_227, %dma_wait3A_228] : memref<3364x128xf32, #tpu.memory_space<hbm>> -> memref<3364x128xf32, #tpu.memory_space<hbm>>
    %dma_wait3A_230 = tpu.memref_slice %arg11[%dma_wait3A_219] : memref<4x!tpu.dma_semaphore, #tpu.memory_space<semaphore_mem>> -> memref<1x!tpu.dma_semaphore, #tpu.memory_space<semaphore_mem>>
    %dma_wait3A_231 = tpu.memref_squeeze %dma_wait3A_230 : memref<1x!tpu.dma_semaphore, #tpu.memory_space<semaphore_mem>> -> memref<!tpu.dma_semaphore, #tpu.memory_space<semaphore_mem>>
    tpu.wait_indirect_dma semaphore(%dma_wait3A_231 : memref<!tpu.dma_semaphore, #tpu.memory_space<semaphore_mem>>) src(%dma_wait3A_229 : memref<3364x128xf32, #tpu.memory_space<hbm>>) dst(%dma_wait3A_223 : memref<128x128xf32, #tpu.memory_space<vmem>>)
    %run_scoped3A_232 = arith.constant 2 : i32
    %run_scoped3A_233 = arith.constant 6 : i32
    "tpu.region"() ({
      %run_scoped3A_239 = tpu.sem_alloc : memref<!tpu.dma_semaphore, #tpu.memory_space<semaphore_mem>>
      %dma_start3A_240 = arith.constant 0 : i32
      %dma_start3A_241 = arith.constant 0 : i32
      %dma_start3A_242 = tpu.memref_slice %arg9[%run_scoped3A_232, %dma_start3A_240, %dma_start3A_241] : memref<4x128x128xf32, #tpu.memory_space<vmem>> -> memref<1x128x128xf32, #tpu.memory_space<vmem>>
      %dma_start3A_243 = tpu.memref_squeeze %dma_start3A_242 : memref<1x128x128xf32, #tpu.memory_space<vmem>> -> memref<128x128xf32, #tpu.memory_space<vmem>>
      %dma_start3A_244 = arith.constant 0 : i32
      %dma_start3A_245 = tpu.memref_slice %arg8[%run_scoped3A_233, %dma_start3A_244] : memref<7x128xi32, #tpu.memory_space<vmem>> -> memref<1x128xi32, #tpu.memory_space<vmem>>
      %dma_start3A_246 = tpu.memref_squeeze %dma_start3A_245 : memref<1x128xi32, #tpu.memory_space<vmem>> -> memref<128xi32, #tpu.memory_space<vmem>>
      %dma_start3A_247 = arith.constant 0 : i32
      %dma_start3A_248 = arith.constant 0 : i32
      %dma_start3A_249 = tpu.memref_slice %arg10[%dma_start3A_247, %dma_start3A_248] : memref<3200x128xf32, #tpu.memory_space<vmem_shared>> -> memref<3200x128xf32, #tpu.memory_space<vmem_shared>>
      tpu.enqueue_indirect_dma source(%dma_start3A_243 : memref<128x128xf32, #tpu.memory_space<vmem>>) target(%dma_start3A_249 : memref<3200x128xf32, #tpu.memory_space<vmem_shared>>) offsets(%dma_start3A_246 : memref<128xi32, #tpu.memory_space<vmem>>) semaphore(%run_scoped3A_239 : memref<!tpu.dma_semaphore, #tpu.memory_space<semaphore_mem>>) {add = true}
      %dma_wait3A_250 = arith.constant 0 : i32
      %dma_wait3A_251 = arith.constant 0 : i32
      %dma_wait3A_252 = tpu.memref_slice %arg9[%run_scoped3A_232, %dma_wait3A_250, %dma_wait3A_251] : memref<4x128x128xf32, #tpu.memory_space<vmem>> -> memref<1x128x128xf32, #tpu.memory_space<vmem>>
      %dma_wait3A_253 = tpu.memref_squeeze %dma_wait3A_252 : memref<1x128x128xf32, #tpu.memory_space<vmem>> -> memref<128x128xf32, #tpu.memory_space<vmem>>
      %dma_wait3A_254 = arith.constant 0 : i32
      %dma_wait3A_255 = tpu.memref_slice %arg8[%run_scoped3A_233, %dma_wait3A_254] : memref<7x128xi32, #tpu.memory_space<vmem>> -> memref<1x128xi32, #tpu.memory_space<vmem>>
      %dma_wait3A_256 = tpu.memref_squeeze %dma_wait3A_255 : memref<1x128xi32, #tpu.memory_space<vmem>> -> memref<128xi32, #tpu.memory_space<vmem>>
      %dma_wait3A_257 = arith.constant 0 : i32
      %dma_wait3A_258 = arith.constant 0 : i32
      %dma_wait3A_259 = tpu.memref_slice %arg10[%dma_wait3A_257, %dma_wait3A_258] : memref<3200x128xf32, #tpu.memory_space<vmem_shared>> -> memref<3200x128xf32, #tpu.memory_space<vmem_shared>>
      tpu.wait_indirect_dma semaphore(%run_scoped3A_239 : memref<!tpu.dma_semaphore, #tpu.memory_space<semaphore_mem>>) src(%dma_wait3A_253 : memref<128x128xf32, #tpu.memory_space<vmem>>) dst(%dma_wait3A_259 : memref<3200x128xf32, #tpu.memory_space<vmem_shared>>)
      tpu.yield
    }) : () -> ()
    %barrier3A_234 = arith.constant 0 : index
    tpu.barrier barrier_id(%barrier3A_234)
    %mul3A_235 = arith.constant 200 : i32
    %mul3A_236 = arith.muli %arg1, %mul3A_235 : i32
    %mul3A_237 = arith.constant 200 : i32
    %mul3A_238 = arith.muli %arg1, %mul3A_237 : i32
    "tpu.region"() ({
      %run_scoped3A_239 = tpu.sem_alloc : memref<!tpu.dma_semaphore, #tpu.memory_space<semaphore_mem>>
      %dma_start3A_240 = arith.constant 0 : i32
      %dma_start3A_241 = arith.constant 0 : i32
      %dma_start3A_242 = tpu.memref_slice %arg6[%arg0, %dma_start3A_240, %dma_start3A_241] : memref<2x3200x128xf32, #tpu.memory_space<hbm>> -> memref<1x3200x128xf32, #tpu.memory_space<hbm>>
      %dma_start3A_243 = tpu.memref_squeeze %dma_start3A_242 : memref<1x3200x128xf32, #tpu.memory_space<hbm>> -> memref<3200x128xf32, #tpu.memory_space<hbm>>
      %dma_start3A_244 = arith.constant 0 : i32
      %dma_start3A_245 = tpu.memref_slice %dma_start3A_243[%mul3A_238, %dma_start3A_244] : memref<3200x128xf32, #tpu.memory_space<hbm>> -> memref<200x128xf32, #tpu.memory_space<hbm>>
      %dma_start3A_246 = arith.constant 0 : i32
      %dma_start3A_247 = tpu.memref_slice %arg10[%mul3A_236, %dma_start3A_246] : memref<3200x128xf32, #tpu.memory_space<vmem_shared>> -> memref<200x128xf32, #tpu.memory_space<vmem_shared>>
      tpu.enqueue_dma source(%dma_start3A_247 : memref<200x128xf32, #tpu.memory_space<vmem_shared>>) target(%dma_start3A_245 : memref<200x128xf32, #tpu.memory_space<hbm>>) target_semaphore(%run_scoped3A_239 : memref<!tpu.dma_semaphore, #tpu.memory_space<semaphore_mem>>)
      %dma_wait3A_248 = arith.constant 0 : i32
      %dma_wait3A_249 = arith.constant 0 : i32
      %dma_wait3A_250 = tpu.memref_slice %arg6[%arg0, %dma_wait3A_248, %dma_wait3A_249] : memref<2x3200x128xf32, #tpu.memory_space<hbm>> -> memref<1x3200x128xf32, #tpu.memory_space<hbm>>
      %dma_wait3A_251 = tpu.memref_squeeze %dma_wait3A_250 : memref<1x3200x128xf32, #tpu.memory_space<hbm>> -> memref<3200x128xf32, #tpu.memory_space<hbm>>
      %dma_wait3A_252 = arith.constant 0 : i32
      %dma_wait3A_253 = tpu.memref_slice %dma_wait3A_251[%mul3A_238, %dma_wait3A_252] : memref<3200x128xf32, #tpu.memory_space<hbm>> -> memref<200x128xf32, #tpu.memory_space<hbm>>
      %dma_wait3A_254 = arith.constant 0 : i32
      %dma_wait3A_255 = tpu.memref_slice %arg10[%mul3A_236, %dma_wait3A_254] : memref<3200x128xf32, #tpu.memory_space<vmem_shared>> -> memref<200x128xf32, #tpu.memory_space<vmem_shared>>
      tpu.wait_dma2 semaphore(%run_scoped3A_239 : memref<!tpu.dma_semaphore, #tpu.memory_space<semaphore_mem>>) src(%dma_wait3A_255 : memref<200x128xf32, #tpu.memory_space<vmem_shared>>) dst(%dma_wait3A_253 : memref<200x128xf32, #tpu.memory_space<hbm>>)
      tpu.yield
    }) : () -> ()
    return
  }
}

module attributes {stable_mosaic.version = 14 : i64} {
  func.func @_match_body(%arg0: i32, %arg1: memref<864x512xf32, #tpu.memory_space<vmem>>, %arg2: memref<864x3136xf32, #tpu.memory_space<vmem>>, %arg3: memref<1x512x9xi32, #tpu.memory_space<vmem>>) attributes {dimension_semantics = [#tpu.dimension_semantics<arbitrary>], iteration_bounds = array<i64: 7>, scalar_prefetch = 0 : i64, scratch_operands = 0 : i64, tpu.core_type = #tpu.core_type<tc>, window_params = [{transform_indices = @transform_0, window_bounds = array<i64: 864, 512>}, {pipeline_mode = #tpu.pipeline_mode<synchronous>, transform_indices = @transform_1, window_bounds = array<i64: 864, 3136>}, {transform_indices = @transform_2, window_bounds = array<i64: 1, 512, 9>}]} {
    %get3A = arith.constant 0 : index
    %get3A_0 = arith.constant 0 : index
    %get3A_1 = vector.load %arg1[%get3A, %get3A_0] : memref<864x512xf32, #tpu.memory_space<vmem>>, vector<864x512xf32>
    %get3A_2 = arith.constant 0 : index
    %get3A_3 = arith.constant 0 : index
    %get3A_4 = vector.load %arg2[%get3A_2, %get3A_3] : memref<864x3136xf32, #tpu.memory_space<vmem>>, vector<864x3136xf32>
    %mul3A = arith.mulf %get3A_1, %get3A_1 : vector<864x512xf32>
    %reduce_sum3A = arith.constant dense<0.000000e+00> : vector<512xf32>
    %reduce_sum3A_5 = vector.multi_reduction <add>, %mul3A, %reduce_sum3A [0] : vector<864x512xf32> to vector<512xf32>
    %broadcast_in_dim3A = vector.shape_cast %reduce_sum3A_5 : vector<512xf32> to vector<1x512xf32>
    %sqrt3A = math.sqrt %broadcast_in_dim3A : vector<1x512xf32>
    %max3A = arith.constant 9.99999996E-13 : f32
    %max3A_6 = vector.broadcast %max3A : f32 to vector<1x512xf32>
    %max3A_7 = arith.maximumf %sqrt3A, %max3A_6 : vector<1x512xf32>
    %div3A = vector.broadcast %max3A_7 : vector<1x512xf32> to vector<864x512xf32>
    %div3A_8 = arith.divf %get3A_1, %div3A : vector<864x512xf32>
    %dot_general3A = arith.constant dense<0.000000e+00> : vector<512x3136xf32>
    %dot_general3A_9 = tpu.matmul %div3A_8, %get3A_4, %dot_general3A {dimension_numbers = #tpu.dot_dimension_numbers<[0], [0], [1], [1], [0, 1, 1, 1], [], []>, transpose_lhs_hint = false} : vector<864x512xf32>, vector<864x3136xf32>, vector<512x3136xf32> -> vector<512x3136xf32>
    %iota3A = tpu.iota {dimensions = array<i32: 1>} : vector<512x3136xi32>
    %reduce_max3A = arith.constant dense<0xFF800000> : vector<512xf32>
    %reduce_max3A_10 = vector.multi_reduction <maximumf>, %dot_general3A_9, %reduce_max3A [1] : vector<512x3136xf32> to vector<512xf32>
    %broadcast_in_dim3A_11 = vector.shape_cast %reduce_max3A_10 : vector<512xf32> to vector<512x1xf32>
    %eq3A = vector.broadcast %broadcast_in_dim3A_11 : vector<512x1xf32> to vector<512x3136xf32>
    %eq3A_12 = arith.cmpf oeq, %dot_general3A_9, %eq3A : vector<512x3136xf32>
    %jit3A = arith.constant 3136 : i32
    %broadcast_in_dim3A_13 = vector.broadcast %jit3A : i32 to vector<512x3136xi32>
    %select_n3A = arith.select %eq3A_12, %iota3A, %broadcast_in_dim3A_13 : vector<512x3136xi1>, vector<512x3136xi32>
    %reduce_min3A = arith.constant dense<2147483647> : vector<512xi32>
    %reduce_min3A_14 = vector.multi_reduction <minsi>, %select_n3A, %reduce_min3A [1] : vector<512x3136xi32> to vector<512xi32>
    %mul3A_15 = arith.constant 18725 : i32
    %mul3A_16 = vector.broadcast %mul3A_15 : i32 to vector<512xi32>
    %mul3A_17 = arith.muli %reduce_min3A_14, %mul3A_16 : vector<512xi32>
    %shift_right_arithmetic3A = arith.constant 20 : i32
    %shift_right_arithmetic3A_18 = vector.broadcast %shift_right_arithmetic3A : i32 to vector<512xi32>
    %shift_right_arithmetic3A_19 = arith.shrsi %mul3A_17, %shift_right_arithmetic3A_18 : vector<512xi32>
    %mul3A_20 = arith.constant 2 : i32
    %mul3A_21 = vector.broadcast %mul3A_20 : i32 to vector<512xi32>
    %mul3A_22 = arith.muli %mul3A_21, %shift_right_arithmetic3A_19 : vector<512xi32>
    %add3A = arith.addi %reduce_min3A_14, %mul3A_22 : vector<512xi32>
    %iota3A_23 = tpu.iota {dimensions = array<i32: 1>} : vector<512x9xi32>
    %mul3A_24 = arith.constant 21846 : i32
    %mul3A_25 = vector.broadcast %mul3A_24 : i32 to vector<512x9xi32>
    %mul3A_26 = arith.muli %iota3A_23, %mul3A_25 : vector<512x9xi32>
    %shift_right_arithmetic3A_27 = arith.constant 16 : i32
    %shift_right_arithmetic3A_28 = vector.broadcast %shift_right_arithmetic3A_27 : i32 to vector<512x9xi32>
    %shift_right_arithmetic3A_29 = arith.shrsi %mul3A_26, %shift_right_arithmetic3A_28 : vector<512x9xi32>
    %mul3A_30 = arith.constant 55 : i32
    %mul3A_31 = vector.broadcast %mul3A_30 : i32 to vector<512x9xi32>
    %mul3A_32 = arith.muli %shift_right_arithmetic3A_29, %mul3A_31 : vector<512x9xi32>
    %add3A_33 = arith.addi %mul3A_32, %iota3A_23 : vector<512x9xi32>
    %broadcast_in_dim3A_34 = vector.shape_cast %add3A : vector<512xi32> to vector<512x1xi32>
    %add3A_35 = vector.broadcast %broadcast_in_dim3A_34 : vector<512x1xi32> to vector<512x9xi32>
    %add3A_36 = arith.addi %add3A_35, %add3A_33 : vector<512x9xi32>
    %swap3A = arith.constant 0 : index
    %swap3A_37 = arith.constant 0 : index
    %swap3A_38 = arith.constant 0 : index
    %swap3A_39 = vector.load %arg3[%swap3A, %swap3A_37, %swap3A_38] : memref<1x512x9xi32, #tpu.memory_space<vmem>>, vector<1x512x9xi32>
    %swap3A_40 = vector.shape_cast %swap3A_39 : vector<1x512x9xi32> to vector<512x9xi32>
    %swap3A_41 = vector.shape_cast %add3A_36 : vector<512x9xi32> to vector<1x512x9xi32>
    tpu.vector_store %arg3[%swap3A, %swap3A_37, %swap3A_38], %swap3A_41 {strides = array<i32>} : memref<1x512x9xi32, #tpu.memory_space<vmem>>, vector<1x512x9xi32>,
    return
  }
  func.func @transform_0(%arg0: i32) -> (i32, i32) {
    %c0_i32 = arith.constant 0 : i32
    %c0_i32_0 = arith.constant 0 : i32
    return %c0_i32, %arg0 : i32, i32
  }
  func.func @transform_1(%arg0: i32) -> (i32, i32) {
    %c0_i32 = arith.constant 0 : i32
    %c0_i32_0 = arith.constant 0 : i32
    %c0_i32_1 = arith.constant 0 : i32
    return %c0_i32, %c0_i32_0 : i32, i32
  }
  func.func @transform_2(%arg0: i32) -> (i32, i32, i32) {
    %c0_i32 = arith.constant 0 : i32
    %c0_i32_0 = arith.constant 0 : i32
    %c0_i32_1 = arith.constant 0 : i32
    return %arg0, %c0_i32, %c0_i32_0 : i32, i32, i32
  }
}

module attributes {stable_mosaic.version = 14 : i64} {
  func.func @_combine_body(%arg0: memref<2x3200x128xf32, #tpu.memory_space<vmem>>, %arg1: memref<3136x1xf32, #tpu.memory_space<vmem>>, %arg2: memref<96x3136xf32, #tpu.memory_space<vmem>>) attributes {dimension_semantics = [], scalar_prefetch = 0 : i64, scratch_operands = 0 : i64, tpu.core_type = #tpu.core_type<tc>} {
    %get3A = arith.constant 0 : index
    %get3A_0 = arith.constant 0 : index
    %get3A_1 = arith.constant 0 : index
    %get3A_2 = vector.load %arg0[%get3A, %get3A_0, %get3A_1] : memref<2x3200x128xf32, #tpu.memory_space<vmem>>, vector<1x3200x128xf32>
    %get3A_3 = vector.shape_cast %get3A_2 : vector<1x3200x128xf32> to vector<3200x128xf32>
    %get3A_4 = arith.constant 1 : index
    %get3A_5 = arith.constant 0 : index
    %get3A_6 = arith.constant 0 : index
    %get3A_7 = vector.load %arg0[%get3A_4, %get3A_5, %get3A_6] : memref<2x3200x128xf32, #tpu.memory_space<vmem>>, vector<1x3200x128xf32>
    %get3A_8 = vector.shape_cast %get3A_7 : vector<1x3200x128xf32> to vector<3200x128xf32>
    %add3A = arith.addf %get3A_3, %get3A_8 : vector<3200x128xf32>
    %slice3A = vector.extract_strided_slice %add3A {offsets = [0, 0], sizes = [3136, 96], strides = [1, 1]} : vector<3200x128xf32> to vector<3136x96xf32>
    %get3A_9 = arith.constant 0 : index
    %get3A_10 = arith.constant 0 : index
    %get3A_11 = vector.load %arg1[%get3A_9, %get3A_10] : memref<3136x1xf32, #tpu.memory_space<vmem>>, vector<3136x1xf32>
    %mul3A = vector.broadcast %get3A_11 : vector<3136x1xf32> to vector<3136x96xf32>
    %mul3A_12 = arith.mulf %slice3A, %mul3A : vector<3136x96xf32>
    %transpose3A = tpu.transpose %mul3A_12, [1, 0] : vector<3136x96xf32> -> vector<96x3136xf32>
    %swap3A = arith.constant 0 : index
    %swap3A_13 = arith.constant 0 : index
    %swap3A_14 = vector.load %arg2[%swap3A, %swap3A_13] : memref<96x3136xf32, #tpu.memory_space<vmem>>, vector<96x3136xf32>
    tpu.vector_store %arg2[%swap3A, %swap3A_13], %transpose3A {strides = array<i32>} : memref<96x3136xf32, #tpu.memory_space<vmem>>, vector<96x3136xf32>,
    return
  }
}

</mosaic_0001>

<sc_bundles>
// kernel: kernel.5.cloned.1.call-start
scs
__scs_entry_jumppad:
0x0: {  	(pc) =	sbr.rel $0x88, $3  }
0x1: {  	(tag) =	ssettag $0x0;
	lr =	simm.s32 $0x1  }
0x2: {  	[smem:$0x3F9F] =	sst lr;
	_ =	strace $0xD0000000  }
0x3: {  	_ = 	snop  }
0x4: {  	_ = 	snop  }
0x5: {  	_ = 	snop  }
0x6: {  	_ = 	snop  }
0x7: {  	_ = 	snop  }
__scs_overlays_trampoline_lowered:
0x8: {  	[smem:$0x3FAE] =	sst s0  }
0x9: {  	[smem:$0x3FAF] =	sst s1  }
0xa: {  	[smem:$0x3FB0] =	sst s2  }
0xb: {  	[smem:$0x3FB1] =	sst s3  }
0xc: {  	[smem:$0x3FB2] =	sst s4  }
0xd: {  	[smem:$0x3FB3] =	sst s5  }
0xe: {  	[smem:$0x3FB4] =	sst s6  }
0xf: {  	[smem:$0x3FB5] =	sst s7  }
0x10: {  	[smem:$0x3FB6] =	sst s8  }
0x11: {  	[smem:$0x3FB7] =	sst s9;
	s0 =	simm.s32 @!p0 $0x0  }
0x12: {  	s1 =	sld [smem:$0x3F9D];
	s0 =	simm.s32 @p0 $0x1  }
0x13: {  	[smem:$0x3FB8] =	sst s0;
	s0 =	simm.s32 @!p1 $0x0  }
0x14: {  	s2 =	sld [smem:$0x3F9C];
	s0 =	simm.s32 @p1 $0x1  }
0x15: {  	[smem:$0x3FB9] =	sst s0;
	s0 =	simm.s32 @!p2 $0x0  }
0x16: {  	s3 =	sld [smem:$0x3FDB];
	s0 =	simm.s32 @p2 $0x1  }
0x17: {  	s4 =	simm.s32 $0x1BF5;
	[smem:$0x3FBB] =	sst s0  }
0x18: {  	s0 =	sld [smem:$0x3F9E];
	_ =	swait.ge [sflag:s4], $0x0  }
0x19: {  	s7 =	sld [smem:$0x3F9F]  }
0x1a: {  	s8 =	sadd.s32 $0xFFFFE003, lr  }
0x1b: {  	s9 =	sadd.s32 $0xFFFFFEF7, lr;
	s5 =	simm.s32 $0xFFFFFFFF;
	p2 =	slt.u32 s8, $0xFFFFF086  }
0x1c: {  	p1 =	slt.u32 s9, $0xF7A;
	s5 =	simm.s32 @!p2 $0x0  }
0x1d: {  	s5 =	simm.s32 @p1 $0x1;
	p0 =	seq.s32 s7, s2  }
0x1e: {  	s7 =	smul.u32 @!p0 $0xF7A, s2;
	p2 =	seq.s32 @!p0 s5, $0x0  }
0x1f: {  	s9 =	smul.u32 $0xF7A, s1;
	s8 =	simm.s32 @!p0 $0x1BF5;
	p2 =	por !p2, p0  }
0x20: {  	[sflag:s8] =	ssyncset.s32 @!p0 $0xFFFFF086;
	s6 =	sadd.s32 @!p0 s3, s7;
	s7 =	simm.s32 @!p0 $0x108  }
0x21: {  	s3 =	sadd.s32 s3, s9;
	s6 =	sadd.s32 @!p0 $0x88, s6;
	s7 =	simm.s32 @p2 $0x1082  }
0x22: {  	[simem:s7], [sflag:s8] =	dma.local @!p0 [hbm:s6], $0xF7A  }
0x23: {  	s9 =	sor.u32 $0xD0000000, s2;
	s6 =	simm.s32 $0x108;
	_ =	swait.ge @!p0 [sflag:s8], $0x0  }
0x24: {  	s3 =	sadd.s32 $0x88, s3;
	s6 =	simm.s32 @!p1 $0x1082;
	[sflag:s4] =	ssyncset.s32 $0xFFFFF086  }
0x25: {  	[simem:s6], [sflag:s4] =	dma.local [hbm:s3], $0xF7A  }
0x26: {  	[smem:$0x3F9F] =	sst s1;
	(tag) =	ssettag s2;
	_ =	strace s9  }
0x27: {  	s1 =	sld [smem:$0x3FAF]  }
0x28: {  	s2 =	sld [smem:$0x3FB0]  }
0x29: {  	s4 =	sld [smem:$0x3FB2]  }
0x2a: {  	p0 =	seq.s32 s5, $0x0;
	s5 =	sld [smem:$0x3FB3]  }
0x2b: {  	s6 =	sld [smem:$0x3FB4]  }
0x2c: {  	s7 =	sld [smem:$0x3FB5]  }
0x2d: {  	s3 =	simm.s32 $0x108;
	s8 =	sld [smem:$0x3FB6]  }
0x2e: {  	s3 =	simm.s32 @!p0 $0x1082;
	s9 =	sld [smem:$0x3FB7]  }
0x2f: {  	lr =	sadd.s32 s0, s3;
	s0 =	sld [smem:$0x3FAE]  }
0x30: {  	s3 =	sld [smem:$0x3FB1]  }
0x31: {  	[smem:$0x3FBA] =	sst s10  }
0x32: {  	s10 =	sld [smem:$0x3FB8];
	_ =	sdelay $0x3  }
0x33: {  	p0 =	seq.s32 s10, $0x1;
	s10 =	sld [smem:$0x3FBA];
	_ =	sdelay $0x3  }
0x34: {  	[smem:$0x3FBA] =	sst s10  }
0x35: {  	s10 =	sld [smem:$0x3FB9];
	_ =	sdelay $0x3  }
0x36: {  	p1 =	seq.s32 s10, $0x1;
	s10 =	sld [smem:$0x3FBA];
	_ =	sdelay $0x3  }
0x37: {  	[smem:$0x3FBA] =	sst s10  }
0x38: {  	s10 =	sld [smem:$0x3FBB]  }
0x39: {  	_ = 	snop;
	(pc) =	sbr.ind lr, $3  }
0x3a: {  	_ = 	snop  }
0x3b: {  	_ = 	snop  }
0x3c: {  	p2 =	seq.s32 s10, $0x1;
	s10 =	sld [smem:$0x3FBA]  }
0x3d: {  	_ =	shalt  }
0x3e: {  	_ =	shalt  }
0x3f: {  	_ =	shalt  }
0x40: {  	_ =	shalt  }
0x41: {  	_ =	shalt  }
0x42: {  	_ =	shalt  }
0x43: {  	_ =	shalt  }
0x44: {  	_ =	shalt  }
0x45: {  	_ =	shalt  }
0x46: {  	_ =	shalt  }
0x47: {  	_ =	shalt  }
0x48: {  	_ =	shalt  }
0x49: {  	_ =	shalt  }
0x4a: {  	_ =	shalt  }
0x4b: {  	_ =	shalt  }
0x4c: {  	_ =	shalt  }
0x4d: {  	_ =	shalt  }
0x4e: {  	_ =	shalt  }
0x4f: {  	_ =	shalt  }
0x50: {  	_ =	shalt  }
0x51: {  	_ =	shalt  }
0x52: {  	_ =	shalt  }
0x53: {  	_ =	shalt  }
0x54: {  	_ =	shalt  }
0x55: {  	_ =	shalt  }
0x56: {  	_ =	shalt  }
0x57: {  	_ =	shalt  }
0x58: {  	_ =	shalt  }
0x59: {  	_ =	shalt  }
0x5a: {  	_ =	shalt  }
0x5b: {  	_ =	shalt  }
0x5c: {  	_ =	shalt  }
0x5d: {  	_ =	shalt  }
0x5e: {  	_ =	shalt  }
0x5f: {  	_ =	shalt  }
0x60: {  	_ =	shalt  }
0x61: {  	_ =	shalt  }
0x62: {  	_ =	shalt  }
0x63: {  	_ =	shalt  }
0x64: {  	_ =	shalt  }
0x65: {  	_ =	shalt  }
0x66: {  	_ =	shalt  }
0x67: {  	_ =	shalt  }
0x68: {  	_ =	shalt  }
0x69: {  	_ =	shalt  }
0x6a: {  	_ =	shalt  }
0x6b: {  	_ =	shalt  }
0x6c: {  	_ =	shalt  }
0x6d: {  	_ =	shalt  }
0x6e: {  	_ =	shalt  }
0x6f: {  	_ =	shalt  }
0x70: {  	_ =	shalt  }
0x71: {  	_ =	shalt  }
0x72: {  	_ =	shalt  }
0x73: {  	_ =	shalt  }
0x74: {  	_ =	shalt  }
0x75: {  	_ =	shalt  }
0x76: {  	_ =	shalt  }
0x77: {  	_ =	shalt  }
0x78: {  	_ =	shalt  }
0x79: {  	_ =	shalt  }
0x7a: {  	_ =	shalt  }
0x7b: {  	_ =	shalt  }
0x7c: {  	_ =	shalt  }
0x7d: {  	_ =	shalt  }
0x7e: {  	_ =	shalt  }
0x7f: {  	_ =	shalt  }
0x80: {  	_ =	shalt  }
0x81: {  	_ =	shalt  }
0x82: {  	_ =	shalt  }
0x83: {  	_ =	shalt  }
0x84: {  	_ =	shalt  }
0x85: {  	_ =	shalt  }
0x86: {  	_ =	shalt  }
0x87: {  	_ =	shalt  }
.Lfunc_end0:
.L_simem_size_0:
called_computation_lowered:
.L_overlay_start_0:
0x88: {  	s2 =	sld [smem:$0x3FD9]  }
0x89: {  	s3 =	sld [smem:$0x3FFE];
	_ =	sdelay $0x1  }
0x8a: {  	s1 =	srdreg.scid  }
0x8b: {  	s0 =	sand.u32 $0x1, s1  }
0x8c: {  	s17 =	sshll.u32 s0, $0xA;
	s2 =	sadd.s32 s3, s2  }
0x8d: {  	s2 =	sadd.s32 s2, s17  }
0x8e: {  	[smem:$0x3FC6] =	sst s2  }
0x8f: {  	_ = 	snop  }
0x90: {  	s2 =	sld [smem:$0x3FD0];
	(tm) =	ssettm $0x1  }
0x91: {  	s18 =	sld [smem:$0x3FFB];
	_ =	sdelay $0x3  }
0x92: {  	_ =	strace s18  }
0x93: {  	s3 =	sld [smem:$0x3FFC];
	_ =	sdelay $0x3  }
0x94: {  	_ =	strace s3  }
0x95: {  	s3 =	sld [smem:$0x3FFD];
	_ =	sdelay $0x3  }
0x96: {  	_ =	strace s3  }
0x97: {  	_ =	strace $0x8FFFFFFF  }
0x98: {  	s19 =	sld [smem:$0x3FDB];
	_ =	sdelay $0x1  }
0x99: {  	s4 =	simm.s32 $_scs_section_size  }
0x9a: {  	s5 =	simm.s32 $_size__tile_overlayer_lowered;
	s6 =	simm.s32 $_tile_overlayer_lowered  }
0x9b: {  	s22 =	simm.s32 $0x1BFF;
	s21 =	sshll.u32 s6, $0x1;
	s3 =	sadd.s32 s4, s19  }
0x9c: {  	s7 =	simm.s32 $0x0;
	s20 =	sshll.u32 s5, $0x1;
	s5 =	sadd.s32 s21, s3  }
0x9d: {  	[timem:s7], [sflag:s22] =	dma.local [hbm:s5], s20  }
0x9e: {  	_ =	swait.ge [sflag:s22], s20  }
0x9f: {  	s4 =	ssub.s32 $0x0, s20;
	[sflag:s22] =	ssyncset.done $0x0  }
0xa0: {  	[sflag:s22] =	ssyncadd.s32 s4;
	_ =	sdelay $0x1  }
0xa1: {  	s23 =	simm.s32 $0x1B8B  }
0xa2: {  	_ =	swait.ge [sflag:s23], $0x1  }
0xa3: {  	[sflag:s23] =	ssyncset.done $0x0  }
0xa4: {  	s25 =	simm.s32 $0x1B8E;
	s24 =	sld [smem:$0x3FFE];
	[sflag:s23] =	ssyncadd.s32 $0xFFFFFFFF  }
0xa5: {  	s26 =	simm.s32 $execute0_lowered;
	[smem:$0x3FD2] =	sst s25  }
0xa6: {  	s5 =	sshll.u32 s26, $0x1;
	_ =	strace $0x80000046;
	[dreg:$0x1] =	wrdreg $0xFFFFFFFF  }
0xa7: {  	s28 =	simm.s32 $_size_execute0_lowered;
	s3 =	sadd.s32 s3, s5;
	[dreg:$0x0] =	wrdreg $0x0  }
0xa8: {  	s5 =	sshll.u32 s28, $0x1;
	[dreg:$0x2] =	wrdreg s3  }
0xa9: {  	[dreg:$0x3] =	wrdreg s5  }
0xaa: {  	[dreg:$0x4] =	wrdreg $0xC0  }
0xab: {  	_ =	task [dreg:s7], $0x5FFFF  }
0xac: {  	[dreg:$0x1] =	wrdreg $0xFFFFFFFF  }
0xad: {  	[dreg:$0x0] =	wrdreg $0x60  }
0xae: {  	[dreg:$0x2] =	wrdreg s2  }
0xaf: {  	[dreg:$0x3] =	wrdreg s24  }
0xb0: {  	[dreg:$0x4] =	wrdreg $0x108000  }
0xb1: {  	[dreg:$0x5] =	wrdreg $0x9  }
0xb2: {  	_ =	task.clear_ibuf [dreg:s7], $0x6FFFF;
	_ =	strace $0x90000046  }
0xb3: {  	s29 =	simm.s32 $0x9;
	_ =	strace $0x80000048  }
0xb4: {  	_ =	swait.ge [sflag:s29], $0x1  }
0xb5: {  	[sflag:s29] =	ssyncadd.s32 $0xFFFFFFFF  }
0xb6: {  	_ =	strace $0x90000048  }
0xb7: {  	_ =	sfence  }
0xb8: {  	s30 =	sld [smem:$0x0];
	_ =	sdelay $0x2  }
0xb9: {  	s31 =	sshll.u32 s1, $0xD;
	s1 =	sshrl.u32 s1, $0x2  }
0xba: {  	s3 =	sand.u32 $0x4000, s31;
	s1 =	sadd.s32 s1, s30  }
0xbb: {  	s0 =	sor.u32 s3, s0;
	s1 =	sshll.u32 s1, $0x11  }
0xbc: {  	s0 =	sor.u32 s1, s0  }
0xbd: {  	s0 =	sadd.s32 $0x8F2B, s0  }
0xbe: {  	[sflag:s0] =	ssyncadd.remote.s32 $0x1  }
0xbf: {  	_ =	sfence.sel $0xFFFF  }
0xc0: {  	[dreg:$0x0] =	wrdreg $0xFFFFFFFF;
	(pc) =	sbr.abs _section_cstart, $3  }
0xc1: {  	[dreg:$0x1] =	wrdreg $0xFFFFFFFF  }
0xc2: {  	_ =	task.clear_ibuf [dreg:s7], $0x2FFFF;
	_ =	strace $0x9FFFFFFF  }
0xc3: {  	(tm) =	ssettm $0x7FFFFFFF  }
tec
execute0_lowered:
.L_overlay_start_1:
0x0: {  	(tag) =	ssettag $0x1  }
0x1: {  	s0 =	rddreg [dreg:$0x0]  }
0x2: {  	s3 =	rddreg [dreg:$0x1]  }
0x3: {  	s2 =	rddreg [dreg:$0x2]  }
0x4: {  	s31 =	rddreg [dreg:$0x3];
	s4 =	srdreg.scid;
	s15 =	simm.s32 $0x0  }
0x5: {  	s1 =	stileid.u32;
	s26 =	simm.s32 $0x100;
	s12 =	simm.s32 $0x800  }
0x6: {  	s30 =	simm.s32 $0x5;
	s14 =	simm.s32 $0x1;
	s29 =	simm.s32 $0x180  }
0x7: {  	s17 =	simm.s32 $0xC800;
	s13 =	simm.s32 $0x2;
	s28 =	simm.s32 $0x480  }
0x8: {  	s11 =	simm.s32 $0x3;
	p0 =	por $0x0, $0x0;
	s19 =	simm.s32 $0x600  }
0x9: {  	s4 =	sand.u32 $0x1, s4;
	s6 =	sshll.u32 s1, $0x7;
	s10 =	smul.u32 $0xC80, s1  }
0xa: {  	[smem:$0x7FF] =	sst s15;
	s21 =	smul.u32 $0x19000, s1;
	s5 =	sshll.u32 s4, $0xB  }
0xb: {  	s7 =	smul.u32 $0xC800, s4;
	_ =	strace $0x80000047;
	s4 =	ssub.s32 $0x2, s4  }
0xc: {  	[dreg:$0x8] =	wrdreg s26;
	s26 =	simm.s32 $0x200;
	s5 =	sor.u32 s6, s5  }
0xd: {  	s6 =	sadd.s32 $0xA00, s3;
	s9 =	sadd.s32 s10, s3;
	s20 =	sshrl.u32 s4, $0x1  }
0xe: {  	s23 =	sshrl.u32 s21, $0x2;
	s21 =	simm.s32 $0x400;
	s8 =	sadd.s32 s5, s3  }
0xf: {  	s3 =	sadd.s32 s7, s3;
	s0 =	sadd.s32 s0, s5;
	s7 =	ssub.s32 s4, s20  }
0x10: {  	s24 =	sadd.s32 $0xEE00, s9;
	s4 =	sshll.u32 s1, $0x6;
	s9 =	simm.s32 $0x4800  }
0x11: {  	s20 =	simm.s32 $0x4;
	[dreg:$0x4] =	wrdreg s0;
	s22 =	sadd.s32 $0xDE00, s8  }
0x12: {  	s0 =	sadd.s32 s23, s2;
	[dreg:$0x6] =	wrdreg s24;
	s18 =	smax.u32 s7, $0x1  }
0x13: {  	s16 =	sadd.s32 $0x1B600, s3;
	s25 =	sor.u32 $0x1C05, s4;
	p1 =	sne.s32 s18, $0x1  }
.Ltmp0:
0x14: {  	s3 =	simm.s32 $0x6;
	s7 =	simm.s32 $0x80;
	(pc) =	sbr.rel @!p1 .LBB2_5-.Ltmp0, $4  }
0x15: {  	s8 =	simm.s32 $0x8800;
	s24 =	simm.s32 $0x280;
	[dreg:$0x5] =	wrdreg s22  }
0x16: {  	s23 =	simm.s32 $0x580;
	[dreg:$0x7] =	wrdreg s25;
	s5 =	sshrl.u32 s0, $0x3  }
0x17: {  	s25 =	simm.s32 $0x500;
	s10 =	sadd.s32 s10, s16;
	s0 =	sadd.s32 $0xFFFFFFFF, s18  }
0x18: {  	s22 =	simm.s32 $0x300;
	s18 =	simm.s32 $0x680;
	s16 =	simm.s32 $0x700  }
0x19: {  	s31 =	rddreg [dreg:$0x4]  }
0x1a: {  	[tilespmem:s15], [sflag:$0x6] =	stream.linear.gather [hbm4b:s31+s15], $0x380, $0x38;
	[tilespmem:$0x16C00] =	vst v63  }
0x1b: {  	_ =	swait.ge [sflag:s3], $0x380  }
0x1c: {  	[sflag:s3] =	ssyncset.done $0x0  }
0x1d: {  	s31 =	rddreg [dreg:$0x5];
	[sflag:s3] =	ssyncadd.s32 $0xFFFFFC80  }
0x1e: {  	[tilespmem:s21], [sflag:$0x6] =	stream.linear.gather [hbm4b:s31+s15], $0x380, $0x38;
	[tilespmem:$0x16C00] =	vst v63  }
0x1f: {  	_ =	swait.ge [sflag:s3], $0x380  }
0x20: {  	s31 =	rddreg [dreg:$0x6];
	[sflag:s3] =	ssyncset.done $0x0  }
0x21: {  	s1 =	rddreg [dreg:$0x7];
	[sflag:s3] =	ssyncadd.s32 $0xFFFFFC80  }
0x22: {  	[spmem:s5], [sflag:s1] =	dma.local [hbm:s31], $0xC80  }
0x23: {  	[tilespmem:s12], [sflag:$0x1] =	stream.indirect.gather [hbm4b:s6+s7], $0x80, s15, s7, $0xb8;
	[tilespmem:$0x16C00] =	vst v63  }
0x24: {  	_ = 	snop  }
0x25: {  	[tilespmem:s9], [sflag:$0x2] =	stream.indirect.gather [hbm4b:s6+s7], $0x80, s7, s7, $0xb8;
	[tilespmem:$0x16C00] =	vst v63  }
0x26: {  	s1 =	rddreg [dreg:$0x8]  }
0x27: {  	[tilespmem:s8], [sflag:$0x3] =	stream.indirect.gather [hbm4b:s6+s7], $0x80, s1, s7, $0xb8;
	[tilespmem:$0x16C00] =	vst v63  }
0x28: {  	_ =	swait.ge [sflag:s30], $0xC80  }
0x29: {  	[sflag:s30] =	ssyncset.done $0x0  }
0x2a: {  	[sflag:s30] =	ssyncadd.s32 $0xFFFFF380  }
0x2b: {  	[bflag:$0x0] =	sbarrier.arrive $0xFFFF  }
0x2c: {  	_ =	swait.ge [sflag:s14], $0x4000  }
0x2d: {  	[sflag:s14] =	ssyncset.done $0x0  }
0x2e: {  	[sflag:s14] =	ssyncadd.s32 $0xFFFFC000  }
0x2f: {  	[tilespmem:s17], [sflag:$0x4] =	stream.indirect.gather [hbm4b:s6+s7], $0x80, s29, s7, $0xb8;
	[tilespmem:$0x16C00] =	vst v63  }
0x30: {  	_ = 	snop  }
0x31: {  	[spmem:s2] =	stream.indirect.scatter.add.f32 [tilespmem:s12], [sflag:$0x6], $0x80, s21, s7, $0xb8;
	[tilespmem:$0x16C00] =	vst v63  }
0x32: {  	_ =	swait.ge [sflag:s3], $0x4000  }
0x33: {  	[sflag:s3] =	ssyncset.done $0x0  }
0x34: {  	[sflag:s3] =	ssyncadd.s32 $0xFFFFC000  }
0x35: {  	_ =	swait.ge [sflag:s13], $0x4000  }
0x36: {  	[sflag:s13] =	ssyncset.done $0x0  }
0x37: {  	[sflag:s13] =	ssyncadd.s32 $0xFFFFC000  }
0x38: {  	[tilespmem:s12], [sflag:$0x1] =	stream.indirect.gather [hbm4b:s6+s7], $0x80, s26, s7, $0xb8;
	[tilespmem:$0x16C00] =	vst v63  }
0x39: {  	_ = 	snop  }
0x3a: {  	[spmem:s2] =	stream.indirect.scatter.add.f32 [tilespmem:s9], [sflag:$0x6], $0x80, s28, s7, $0xb8;
	[tilespmem:$0x16C00] =	vst v63  }
0x3b: {  	_ =	swait.ge [sflag:s3], $0x4000  }
0x3c: {  	[sflag:s3] =	ssyncset.done $0x0  }
0x3d: {  	[sflag:s3] =	ssyncadd.s32 $0xFFFFC000  }
0x3e: {  	_ =	swait.ge [sflag:s11], $0x4000  }
0x3f: {  	[sflag:s11] =	ssyncset.done $0x0  }
0x40: {  	[sflag:s11] =	ssyncadd.s32 $0xFFFFC000  }
0x41: {  	[tilespmem:s9], [sflag:$0x2] =	stream.indirect.gather [hbm4b:s6+s7], $0x80, s24, s7, $0xb8;
	[tilespmem:$0x16C00] =	vst v63  }
0x42: {  	_ = 	snop  }
0x43: {  	[spmem:s2] =	stream.indirect.scatter.add.f32 [tilespmem:s8], [sflag:$0x6], $0x80, s25, s7, $0xb8;
	[tilespmem:$0x16C00] =	vst v63  }
0x44: {  	_ =	swait.ge [sflag:s3], $0x4000  }
0x45: {  	[sflag:s3] =	ssyncset.done $0x0  }
0x46: {  	[sflag:s3] =	ssyncadd.s32 $0xFFFFC000  }
0x47: {  	_ =	swait.ge [sflag:s20], $0x4000  }
0x48: {  	[sflag:s20] =	ssyncset.done $0x0  }
0x49: {  	[sflag:s20] =	ssyncadd.s32 $0xFFFFC000  }
0x4a: {  	[tilespmem:s8], [sflag:$0x3] =	stream.indirect.gather [hbm4b:s6+s7], $0x80, s22, s7, $0xb8;
	[tilespmem:$0x16C00] =	vst v63  }
0x4b: {  	_ = 	snop  }
0x4c: {  	[spmem:s2] =	stream.indirect.scatter.add.f32 [tilespmem:s17], [sflag:$0x6], $0x80, s23, s7, $0xb8;
	[tilespmem:$0x16C00] =	vst v63  }
0x4d: {  	_ =	swait.ge [sflag:s3], $0x4000  }
0x4e: {  	[sflag:s3] =	ssyncset.done $0x0  }
0x4f: {  	[sflag:s3] =	ssyncadd.s32 $0xFFFFC000  }
0x50: {  	_ =	swait.ge [sflag:s14], $0x4000  }
0x51: {  	[sflag:s14] =	ssyncset.done $0x0  }
0x52: {  	[sflag:s14] =	ssyncadd.s32 $0xFFFFC000  }
0x53: {  	[spmem:s2] =	stream.indirect.scatter.add.f32 [tilespmem:s12], [sflag:$0x6], $0x80, s19, s7, $0xb8;
	[tilespmem:$0x16C00] =	vst v63  }
0x54: {  	_ =	swait.ge [sflag:s3], $0x4000  }
0x55: {  	[sflag:s3] =	ssyncset.done $0x0  }
0x56: {  	[sflag:s3] =	ssyncadd.s32 $0xFFFFC000  }
0x57: {  	_ =	swait.ge [sflag:s13], $0x4000  }
0x58: {  	[sflag:s13] =	ssyncset.done $0x0  }
0x59: {  	[sflag:s13] =	ssyncadd.s32 $0xFFFFC000  }
0x5a: {  	[spmem:s2] =	stream.indirect.scatter.add.f32 [tilespmem:s9], [sflag:$0x6], $0x80, s18, s7, $0xb8;
	[tilespmem:$0x16C00] =	vst v63  }
0x5b: {  	_ =	swait.ge [sflag:s3], $0x4000  }
0x5c: {  	[sflag:s3] =	ssyncset.done $0x0  }
0x5d: {  	[sflag:s3] =	ssyncadd.s32 $0xFFFFC000  }
0x5e: {  	_ =	swait.ge [sflag:s11], $0x4000  }
0x5f: {  	[sflag:s11] =	ssyncset.done $0x0  }
0x60: {  	[sflag:s11] =	ssyncadd.s32 $0xFFFFC000  }
0x61: {  	[spmem:s2] =	stream.indirect.scatter.add.f32 [tilespmem:s8], [sflag:$0x6], $0x80, s16, s7, $0xb8;
	[tilespmem:$0x16C00] =	vst v63  }
0x62: {  	p1 =	sne.s32 s0, $0x1;
	_ =	swait.ge [sflag:s3], $0x4000  }
.Ltmp1:
0x63: {  	[sflag:s3] =	ssyncset.done $0x0;
	(pc) =	sbr.rel @!p1 .LBB2_2-.Ltmp1, $4  }
0x64: {  	[dreg:$0x9] =	wrdreg s4;
	[sflag:s3] =	ssyncadd.s32 $0xFFFFC000  }
0x65: {  	s31 =	sor.u32 $0x1C06, s4;
	[bflag:$0x0] =	sbarrier.arrive $0xFFFF  }
0x66: {  	[hbm:s10], [sflag:s31] =	dma.local [spmem:s5], $0xC80  }
0x67: {  	s0 =	sadd.s32 $0xFFFFFFFF, s0;
	p0 =	por $0x1, $0x1;
	_ =	swait.ge [sflag:s3], $0xC80  }
.LBB2_3:
0x68: {  	[sflag:s3] =	ssyncset.done $0x0  }
0x69: {  	s1 =	rddreg [dreg:$0x4];
	[sflag:s3] =	ssyncadd.s32 $0xFFFFF380  }
0x6a: {  	[tilespmem:s15], [sflag:$0x6] =	stream.linear.gather [hbm4b:s1+s15], $0x380, $0x38;
	[tilespmem:$0x16C00] =	vst v63  }
0x6b: {  	_ =	swait.ge [sflag:s3], $0x380  }
0x6c: {  	[sflag:s3] =	ssyncset.done $0x0  }
0x6d: {  	s4 =	rddreg [dreg:$0x5];
	[sflag:s3] =	ssyncadd.s32 $0xFFFFFC80  }
0x6e: {  	[tilespmem:s21], [sflag:$0x6] =	stream.linear.gather [hbm4b:s4+s15], $0x380, $0x38;
	[tilespmem:$0x16C00] =	vst v63  }
0x6f: {  	_ =	swait.ge [sflag:s3], $0x380  }
0x70: {  	[sflag:s3] =	ssyncset.done $0x0;
	s1 =	rddreg [dreg:$0x6]  }
0x71: {  	s4 =	rddreg [dreg:$0x7];
	[sflag:s3] =	ssyncadd.s32 $0xFFFFFC80  }
0x72: {  	[spmem:s5], [sflag:s4] =	dma.local [hbm:s1], $0xC80  }
0x73: {  	[tilespmem:s12], [sflag:$0x1] =	stream.indirect.gather [hbm4b:s6+s7], $0x80, s15, s7, $0xb8;
	[tilespmem:$0x16C00] =	vst v63  }
0x74: {  	_ = 	snop  }
0x75: {  	[tilespmem:s9], [sflag:$0x2] =	stream.indirect.gather [hbm4b:s6+s7], $0x80, s7, s7, $0xb8;
	[tilespmem:$0x16C00] =	vst v63  }
0x76: {  	s1 =	rddreg [dreg:$0x8]  }
0x77: {  	[tilespmem:s8], [sflag:$0x3] =	stream.indirect.gather [hbm4b:s6+s7], $0x80, s1, s7, $0xb8;
	[tilespmem:$0x16C00] =	vst v63  }
0x78: {  	_ =	swait.ge [sflag:s30], $0xC80  }
0x79: {  	[sflag:s30] =	ssyncset.done $0x0  }
0x7a: {  	[sflag:s30] =	ssyncadd.s32 $0xFFFFF380  }
0x7b: {  	[bflag:$0x0] =	sbarrier.arrive $0xFFFF  }
0x7c: {  	_ =	swait.ge [sflag:s14], $0x4000  }
0x7d: {  	[sflag:s14] =	ssyncset.done $0x0  }
0x7e: {  	[sflag:s14] =	ssyncadd.s32 $0xFFFFC000  }
0x7f: {  	[tilespmem:s17], [sflag:$0x4] =	stream.indirect.gather [hbm4b:s6+s7], $0x80, s29, s7, $0xb8;
	[tilespmem:$0x16C00] =	vst v63  }
0x80: {  	_ = 	snop  }
0x81: {  	[spmem:s2] =	stream.indirect.scatter.add.f32 [tilespmem:s12], [sflag:$0x6], $0x80, s21, s7, $0xb8;
	[tilespmem:$0x16C00] =	vst v63  }
0x82: {  	_ =	swait.ge [sflag:s3], $0x4000  }
0x83: {  	[sflag:s3] =	ssyncset.done $0x0  }
0x84: {  	[sflag:s3] =	ssyncadd.s32 $0xFFFFC000  }
0x85: {  	_ =	swait.ge [sflag:s13], $0x4000  }
0x86: {  	[sflag:s13] =	ssyncset.done $0x0  }
0x87: {  	[sflag:s13] =	ssyncadd.s32 $0xFFFFC000  }
0x88: {  	[tilespmem:s12], [sflag:$0x1] =	stream.indirect.gather [hbm4b:s6+s7], $0x80, s26, s7, $0xb8;
	[tilespmem:$0x16C00] =	vst v63  }
0x89: {  	_ = 	snop  }
0x8a: {  	[spmem:s2] =	stream.indirect.scatter.add.f32 [tilespmem:s9], [sflag:$0x6], $0x80, s28, s7, $0xb8;
	[tilespmem:$0x16C00] =	vst v63  }
0x8b: {  	_ =	swait.ge [sflag:s3], $0x4000  }
0x8c: {  	[sflag:s3] =	ssyncset.done $0x0  }
0x8d: {  	[sflag:s3] =	ssyncadd.s32 $0xFFFFC000  }
0x8e: {  	_ =	swait.ge [sflag:s11], $0x4000  }
0x8f: {  	[sflag:s11] =	ssyncset.done $0x0  }
0x90: {  	[sflag:s11] =	ssyncadd.s32 $0xFFFFC000  }
0x91: {  	[tilespmem:s9], [sflag:$0x2] =	stream.indirect.gather [hbm4b:s6+s7], $0x80, s24, s7, $0xb8;
	[tilespmem:$0x16C00] =	vst v63  }
0x92: {  	_ = 	snop  }
0x93: {  	[spmem:s2] =	stream.indirect.scatter.add.f32 [tilespmem:s8], [sflag:$0x6], $0x80, s25, s7, $0xb8;
	[tilespmem:$0x16C00] =	vst v63  }
0x94: {  	_ =	swait.ge [sflag:s3], $0x4000  }
0x95: {  	[sflag:s3] =	ssyncset.done $0x0  }
0x96: {  	[sflag:s3] =	ssyncadd.s32 $0xFFFFC000  }
0x97: {  	_ =	swait.ge [sflag:s20], $0x4000  }
0x98: {  	[sflag:s20] =	ssyncset.done $0x0  }
0x99: {  	[sflag:s20] =	ssyncadd.s32 $0xFFFFC000  }
0x9a: {  	[tilespmem:s8], [sflag:$0x3] =	stream.indirect.gather [hbm4b:s6+s7], $0x80, s22, s7, $0xb8;
	[tilespmem:$0x16C00] =	vst v63  }
0x9b: {  	_ = 	snop  }
0x9c: {  	[spmem:s2] =	stream.indirect.scatter.add.f32 [tilespmem:s17], [sflag:$0x6], $0x80, s23, s7, $0xb8;
	[tilespmem:$0x16C00] =	vst v63  }
0x9d: {  	_ =	swait.ge [sflag:s3], $0x4000  }
0x9e: {  	[sflag:s3] =	ssyncset.done $0x0  }
0x9f: {  	[sflag:s3] =	ssyncadd.s32 $0xFFFFC000  }
0xa0: {  	_ =	swait.ge [sflag:s14], $0x4000  }
0xa1: {  	[sflag:s14] =	ssyncset.done $0x0  }
0xa2: {  	[sflag:s14] =	ssyncadd.s32 $0xFFFFC000  }
0xa3: {  	[spmem:s2] =	stream.indirect.scatter.add.f32 [tilespmem:s12], [sflag:$0x6], $0x80, s19, s7, $0xb8;
	[tilespmem:$0x16C00] =	vst v63  }
0xa4: {  	_ =	swait.ge [sflag:s3], $0x4000  }
0xa5: {  	[sflag:s3] =	ssyncset.done $0x0  }
0xa6: {  	[sflag:s3] =	ssyncadd.s32 $0xFFFFC000  }
0xa7: {  	_ =	swait.ge [sflag:s13], $0x4000  }
0xa8: {  	[sflag:s13] =	ssyncset.done $0x0  }
0xa9: {  	[sflag:s13] =	ssyncadd.s32 $0xFFFFC000  }
0xaa: {  	[spmem:s2] =	stream.indirect.scatter.add.f32 [tilespmem:s9], [sflag:$0x6], $0x80, s18, s7, $0xb8;
	[tilespmem:$0x16C00] =	vst v63  }
0xab: {  	_ =	swait.ge [sflag:s3], $0x4000  }
0xac: {  	[sflag:s3] =	ssyncset.done $0x0  }
0xad: {  	[sflag:s3] =	ssyncadd.s32 $0xFFFFC000  }
0xae: {  	_ =	swait.ge [sflag:s11], $0x4000  }
0xaf: {  	[sflag:s11] =	ssyncset.done $0x0  }
0xb0: {  	[sflag:s11] =	ssyncadd.s32 $0xFFFFC000  }
0xb1: {  	[spmem:s2] =	stream.indirect.scatter.add.f32 [tilespmem:s8], [sflag:$0x6], $0x80, s16, s7, $0xb8;
	[tilespmem:$0x16C00] =	vst v63  }
0xb2: {  	p1 =	sne.s32 s0, $0x1;
	_ =	swait.ge [sflag:s3], $0x4000  }
.Ltmp2:
0xb3: {  	[sflag:s3] =	ssyncset.done $0x0;
	(pc) =	sbr.rel @p1 .LBB2_3-.Ltmp2, $4  }
0xb4: {  	[sflag:s3] =	ssyncadd.s32 $0xFFFFC000  }
0xb5: {  	[bflag:$0x0] =	sbarrier.arrive $0xFFFF  }
0xb6: {  	[hbm:s10], [sflag:s31] =	dma.local [spmem:s5], $0xC80  }
0xb7: {  	s0 =	sadd.s32 $0xFFFFFFFF, s0;
	_ =	swait.ge [sflag:s3], $0xC80  }
0xb8: {  	s31 =	rddreg [dreg:$0x3]  }
0xb9: {  	s4 =	rddreg [dreg:$0x9]  }
.LBB2_5:
0xba: {  	[sflag:s3] =	ssyncset.done @p0 $0x0  }
0xbb: {  	s0 =	rddreg [dreg:$0x4];
	[sflag:s3] =	ssyncadd.s32 @p0 $0xFFFFF380  }
0xbc: {  	[tilespmem:s15], [sflag:$0x6] =	stream.linear.gather [hbm4b:s0+s15], $0x380, $0x38;
	[tilespmem:$0x16C00] =	vst v63  }
0xbd: {  	_ =	swait.ge [sflag:s3], $0x380  }
0xbe: {  	[sflag:s3] =	ssyncset.done $0x0  }
0xbf: {  	s1 =	rddreg [dreg:$0x5];
	[sflag:s3] =	ssyncadd.s32 $0xFFFFFC80  }
0xc0: {  	[tilespmem:s21], [sflag:$0x6] =	stream.linear.gather [hbm4b:s1+s15], $0x380, $0x38;
	[tilespmem:$0x16C00] =	vst v63  }
0xc1: {  	_ =	swait.ge [sflag:s3], $0x380  }
0xc2: {  	s0 =	rddreg [dreg:$0x6];
	[sflag:s3] =	ssyncset.done $0x0  }
0xc3: {  	s1 =	rddreg [dreg:$0x7];
	[sflag:s3] =	ssyncadd.s32 $0xFFFFFC80  }
0xc4: {  	[spmem:s5], [sflag:s1] =	dma.local [hbm:s0], $0xC80  }
0xc5: {  	[tilespmem:s12], [sflag:$0x1] =	stream.indirect.gather [hbm4b:s6+s7], $0x80, s15, s7, $0xb8;
	[tilespmem:$0x16C00] =	vst v63  }
0xc6: {  	_ = 	snop  }
0xc7: {  	[tilespmem:s9], [sflag:$0x2] =	stream.indirect.gather [hbm4b:s6+s7], $0x80, s7, s7, $0xb8;
	[tilespmem:$0x16C00] =	vst v63  }
0xc8: {  	s0 =	rddreg [dreg:$0x8]  }
0xc9: {  	[tilespmem:s8], [sflag:$0x3] =	stream.indirect.gather [hbm4b:s6+s7], $0x80, s0, s7, $0xb8;
	[tilespmem:$0x16C00] =	vst v63  }
0xca: {  	_ =	swait.ge [sflag:s30], $0xC80  }
0xcb: {  	[sflag:s30] =	ssyncset.done $0x0  }
0xcc: {  	[sflag:s30] =	ssyncadd.s32 $0xFFFFF380  }
0xcd: {  	[bflag:$0x0] =	sbarrier.arrive $0xFFFF  }
0xce: {  	_ =	swait.ge [sflag:s14], $0x4000  }
0xcf: {  	[sflag:s14] =	ssyncset.done $0x0  }
0xd0: {  	[sflag:s14] =	ssyncadd.s32 $0xFFFFC000  }
0xd1: {  	[tilespmem:s17], [sflag:$0x4] =	stream.indirect.gather [hbm4b:s6+s7], $0x80, s29, s7, $0xb8;
	[tilespmem:$0x16C00] =	vst v63  }
0xd2: {  	_ = 	snop  }
0xd3: {  	[spmem:s2] =	stream.indirect.scatter.add.f32 [tilespmem:s12], [sflag:$0x6], $0x80, s21, s7, $0xb8;
	[tilespmem:$0x16C00] =	vst v63  }
0xd4: {  	_ =	swait.ge [sflag:s3], $0x4000  }
0xd5: {  	[sflag:s3] =	ssyncset.done $0x0  }
0xd6: {  	[sflag:s3] =	ssyncadd.s32 $0xFFFFC000  }
0xd7: {  	_ =	swait.ge [sflag:s13], $0x4000  }
0xd8: {  	[sflag:s13] =	ssyncset.done $0x0  }
0xd9: {  	[sflag:s13] =	ssyncadd.s32 $0xFFFFC000  }
0xda: {  	[tilespmem:s12], [sflag:$0x1] =	stream.indirect.gather [hbm4b:s6+s7], $0x80, s26, s7, $0xb8;
	[tilespmem:$0x16C00] =	vst v63  }
0xdb: {  	_ = 	snop  }
0xdc: {  	[spmem:s2] =	stream.indirect.scatter.add.f32 [tilespmem:s9], [sflag:$0x6], $0x80, s28, s7, $0xb8;
	[tilespmem:$0x16C00] =	vst v63  }
0xdd: {  	_ =	swait.ge [sflag:s3], $0x4000  }
0xde: {  	[sflag:s3] =	ssyncset.done $0x0  }
0xdf: {  	[sflag:s3] =	ssyncadd.s32 $0xFFFFC000  }
0xe0: {  	_ =	swait.ge [sflag:s11], $0x4000  }
0xe1: {  	[sflag:s11] =	ssyncset.done $0x0  }
0xe2: {  	[sflag:s11] =	ssyncadd.s32 $0xFFFFC000  }
0xe3: {  	[tilespmem:s9], [sflag:$0x2] =	stream.indirect.gather [hbm4b:s6+s7], $0x80, s24, s7, $0xb8;
	[tilespmem:$0x16C00] =	vst v63  }
0xe4: {  	_ = 	snop  }
0xe5: {  	[spmem:s2] =	stream.indirect.scatter.add.f32 [tilespmem:s8], [sflag:$0x6], $0x80, s25, s7, $0xb8;
	[tilespmem:$0x16C00] =	vst v63  }
0xe6: {  	_ =	swait.ge [sflag:s3], $0x4000  }
0xe7: {  	[sflag:s3] =	ssyncset.done $0x0  }
0xe8: {  	[sflag:s3] =	ssyncadd.s32 $0xFFFFC000  }
0xe9: {  	_ =	swait.ge [sflag:s20], $0x4000  }
0xea: {  	[sflag:s20] =	ssyncset.done $0x0  }
0xeb: {  	[sflag:s20] =	ssyncadd.s32 $0xFFFFC000  }
0xec: {  	[tilespmem:s8], [sflag:$0x3] =	stream.indirect.gather [hbm4b:s6+s7], $0x80, s22, s7, $0xb8;
	[tilespmem:$0x16C00] =	vst v63  }
0xed: {  	_ = 	snop  }
0xee: {  	[spmem:s2] =	stream.indirect.scatter.add.f32 [tilespmem:s17], [sflag:$0x6], $0x80, s23, s7, $0xb8;
	[tilespmem:$0x16C00] =	vst v63  }
0xef: {  	_ =	swait.ge [sflag:s3], $0x4000  }
0xf0: {  	[sflag:s3] =	ssyncset.done $0x0  }
0xf1: {  	[sflag:s3] =	ssyncadd.s32 $0xFFFFC000  }
0xf2: {  	_ =	swait.ge [sflag:s14], $0x4000  }
0xf3: {  	[sflag:s14] =	ssyncset.done $0x0  }
0xf4: {  	[sflag:s14] =	ssyncadd.s32 $0xFFFFC000  }
0xf5: {  	[spmem:s2] =	stream.indirect.scatter.add.f32 [tilespmem:s12], [sflag:$0x6], $0x80, s19, s7, $0xb8;
	[tilespmem:$0x16C00] =	vst v63  }
0xf6: {  	_ =	swait.ge [sflag:s3], $0x4000  }
0xf7: {  	[sflag:s3] =	ssyncset.done $0x0  }
0xf8: {  	[sflag:s3] =	ssyncadd.s32 $0xFFFFC000  }
0xf9: {  	_ =	swait.ge [sflag:s13], $0x4000  }
0xfa: {  	[sflag:s13] =	ssyncset.done $0x0  }
0xfb: {  	[sflag:s13] =	ssyncadd.s32 $0xFFFFC000  }
0xfc: {  	[spmem:s2] =	stream.indirect.scatter.add.f32 [tilespmem:s9], [sflag:$0x6], $0x80, s18, s7, $0xb8;
	[tilespmem:$0x16C00] =	vst v63  }
0xfd: {  	_ =	swait.ge [sflag:s3], $0x4000  }
0xfe: {  	[sflag:s3] =	ssyncset.done $0x0  }
0xff: {  	[sflag:s3] =	ssyncadd.s32 $0xFFFFC000  }
0x100: {  	_ =	swait.ge [sflag:s11], $0x4000  }
0x101: {  	[sflag:s11] =	ssyncset.done $0x0  }
0x102: {  	[sflag:s11] =	ssyncadd.s32 $0xFFFFC000  }
0x103: {  	[spmem:s2] =	stream.indirect.scatter.add.f32 [tilespmem:s8], [sflag:$0x6], $0x80, s16, s7, $0xb8;
	[tilespmem:$0x16C00] =	vst v63  }
0x104: {  	_ =	swait.ge [sflag:s3], $0x4000  }
0x105: {  	[sflag:s3] =	ssyncset.done $0x0  }
0x106: {  	[sflag:s3] =	ssyncadd.s32 $0xFFFFC000  }
0x107: {  	s29 =	sor.u32 $0x1C06, s4;
	[bflag:$0x0] =	sbarrier.arrive $0xFFFF  }
0x108: {  	[hbm:s10], [sflag:s29] =	dma.local [spmem:s5], $0xC80  }
0x109: {  	_ =	swait.ge [sflag:s3], $0xC80  }
0x10a: {  	[sflag:s3] =	ssyncset.done $0x0  }
0x10b: {  	[sflag:s3] =	ssyncadd.s32 $0xFFFFF380  }
0x10c: {  	_ =	sfence.sel $0x180000  }
0x10d: {  	s30 =	stileid.u32;
	[bflag:$0x0] =	sbarrier.arrive $0xFFFF  }
0x10e: {  	p0 =	sne.s32 s30, $0x0;
	_ =	strace $0x90000047  }
0x10f: {  	s0 =	sadd.s32 @!p0 $0x100000, s31;
	[bflag:$0x2] =	sbarrier.arrive $0xFFFF  }
0x110: {  	[sflag:s0] =	ssyncadd.tile.s32 @!p0 $0x1;
	_ =	shalt  }
.LBB2_2:
.Ltmp3:
0x111: {  	(pc) =	sbr.rel .LBB2_5-.Ltmp3, $3  }
0x112: {  	_ =	sdelay $0x1  }
0x113: {  	s31 =	rddreg [dreg:$0x3]  }
0x114: {  	s4 =	rddreg [dreg:$0x9]  }
.Lfunc_end2:
_tile_overlayer_lowered:
.L_overlay_start_2:
0x115: {  	(tag) =	ssettag $0x2  }
0x116: {  	s0 =	rddreg [dreg:$0x0];
	s2 =	stileid.u32  }
0x117: {  	s1 =	rddreg [dreg:$0x1];
	p0 =	sne.s32 s2, $0x0  }
0x118: {  	s3 =	rddreg [dreg:$0x2];
	[bflag:$0x3] =	sbarrier.arrive $0xFFFF;
	s2 =	simm.s32 @!p0 $0x1C06  }
0x119: {  	[timem:s3], [sflag:s2] =	dma.local @!p0 [hbm:s0], s1  }
0x11a: {  	s0 =	simm.s32 @!p0 $0x6  }
0x11b: {  	_ =	swait.ge @!p0 [sflag:s0], s1  }
0x11c: {  	s1 =	ssub.s32 @!p0 $0x0, s1;
	[sflag:s0] =	ssyncset.done @!p0 $0x0  }
0x11d: {  	[sflag:s0] =	ssyncadd.s32 @!p0 s1  }
0x11e: {  	[bflag:$0x3] =	sbarrier.arrive $0xFFFF  }
0x11f: {  	_ =	shalt  }

</sc_bundles>
